<compile_context>
chip_gen: v7x
topology: tpu7x:2x2x1
jax: 0.10.2.dev20260603
libtpu: 0.0.44.dev20260713+nightly
codegen_flags: <defaults>
</compile_context>

<pallas_src>
import functools

import jax
import jax.numpy as jnp
from jax import lax
from jax.experimental import pallas as pl
from jax.experimental.pallas import tpu as pltpu
from jax.experimental.pallas import tpu_sc as plsc

N = 10000
E = 320000
D = 128

NC = 2
NS = 16
NW = NC * NS
K = 128


NCHUNK = -(-E // (NW * K))
NCHUNK0 = 95
NCHUNK1 = 2 * NCHUNK - NCHUNK0
E_PAD = NW * NCHUNK * K
N_PAD = N + 112
ROWS_PER_TILE = N_PAD // NS
_CHUNK_SIZES = [128, 128, 128, 128, 120]


def _h1_body(h_ref, w_ref, b_ref, o_ref):
    acc = lax.dot_general(h_ref[...], w_ref[...], (((1,), (1,)), ((), ())),
                          preferred_element_type=jnp.float32)
    o_ref[...] = jnp.maximum(acc + b_ref[...], 0.0)


def _h1(h, W, b2):
    grid = 10
    rb = N // grid
    return pl.pallas_call(
        _h1_body,
        grid=(grid,),
        in_specs=[
            pl.BlockSpec((rb, D), lambda i: (i, 0)),
            pl.BlockSpec((D, D), lambda i: (0, 0)),
            pl.BlockSpec((1, D), lambda i: (0, 0)),
        ],
        out_specs=pl.BlockSpec((rb, D), lambda i: (i, 0)),
        out_shape=jax.ShapeDtypeStruct((N, D), jnp.float32),
    )(h, W, b2)


def _edge_body(h1_hbm, src_hbm, dst_hbm,
               pacc_hbm, pcnt_hbm,
               src_v, dst_v, rows_v, zidx_v, acc_sh, sem):
    cid = lax.axis_index("c")
    sid = lax.axis_index("s")
    r0 = sid * ROWS_PER_TILE
    nchunk = jnp.where(cid == 0, NCHUNK0, NCHUNK1)
    base = jnp.where(cid == 0, sid * NCHUNK0,
                     NS * NCHUNK0 + sid * NCHUNK1)

    def _fill_rows(val):
        def _f(j, _):
            rows_v[j // 8, pl.ds((j % 8) * 16, 16)] = jnp.full((16,), val,
                                                              jnp.float32)
            return 0
        lax.fori_loop(0, K * 8, _f, 0)

    def _idx_chunk(off):
        def _ifill(t, _):
            v = r0 + off + t * 16 + lax.iota(jnp.int32, 16)
            zidx_v[0, pl.ds(t * 16, 16)] = jnp.minimum(v, r0 + ROWS_PER_TILE - 1)
            return 0
        lax.fori_loop(0, K // 16, _ifill, 0)

    def _zero_acc():
        for c in range(len(_CHUNK_SIZES)):
            _idx_chunk(c * K)
            pltpu.sync_copy(rows_v, acc_sh.at[zidx_v.at[0]])

    def _dump_acc(out_hbm):
        off = 0
        for sz in _CHUNK_SIZES:
            _idx_chunk(off)
            pltpu.sync_copy(acc_sh.at[zidx_v.at[0]], rows_v)
            hb = cid * N_PAD + r0 + off
            pltpu.sync_copy(rows_v.at[pl.ds(0, sz)], out_hbm.at[pl.ds(hb, sz)])
            off += sz

    _fill_rows(0.0)
    _zero_acc()
    plsc.subcore_barrier()

    def _chunk_a(j, _):
        row = base + j
        pltpu.sync_copy(src_hbm.at[row], src_v)
        pltpu.sync_copy(dst_hbm.at[row], dst_v)
        pltpu.async_copy(h1_hbm.at[src_v.at[0]], rows_v, sem).wait()
        pltpu.sync_copy(rows_v, acc_sh.at[dst_v.at[0]], add=True)
        return 0
    lax.fori_loop(0, nchunk, _chunk_a, 0)
    plsc.subcore_barrier()
    _dump_acc(pacc_hbm)

    _fill_rows(0.0)
    _zero_acc()
    plsc.subcore_barrier()

    _fill_rows(1.0)
    def _chunk_b(j, _):
        row = base + j
        pltpu.sync_copy(dst_hbm.at[row], dst_v)
        pltpu.sync_copy(rows_v, acc_sh.at[dst_v.at[0]], add=True)
        return 0
    lax.fori_loop(0, nchunk, _chunk_b, 0)
    plsc.subcore_barrier()
    _dump_acc(pcnt_hbm)


_edge_sc = functools.partial(
    pl.kernel,
    out_type=(
        jax.ShapeDtypeStruct((NC * N_PAD, D), jnp.float32),
        jax.ShapeDtypeStruct((NC * N_PAD, D), jnp.float32),
    ),
    mesh=plsc.VectorSubcoreMesh(core_axis_name="c", subcore_axis_name="s",
                                num_cores=NC, num_subcores=NS),
    scratch_types=[
        pltpu.VMEM((1, K), jnp.int32),
        pltpu.VMEM((1, K), jnp.int32),
        pltpu.VMEM((K, D), jnp.float32),
        pltpu.VMEM((1, K), jnp.int32),
        pltpu.VMEM_SHARED((N_PAD, D), jnp.float32),
        pltpu.SemaphoreType.DMA,
    ],
)(_edge_body)


def _fin_body(a0_ref, a1_ref, c0_ref, c1_ref, h1_ref, o_ref):
    sacc = a0_ref[0] + a1_ref[0]
    c = c0_ref[0][:, :1] + c1_ref[0][:, :1]
    mean = sacc / jnp.maximum(c, 1.0)
    o_ref[...] = jnp.where(c > 0, mean, h1_ref[...])


def _finalize(pacc, pcnt, h1):
    grid = 10
    rb = N // grid
    return pl.pallas_call(
        _fin_body,
        grid=(grid,),
        in_specs=[
            pl.BlockSpec((1, rb, D), lambda i: (0, i, 0)),
            pl.BlockSpec((1, rb, D), lambda i: (1, i, 0)),
            pl.BlockSpec((1, rb, D), lambda i: (0, i, 0)),
            pl.BlockSpec((1, rb, D), lambda i: (1, i, 0)),
            pl.BlockSpec((rb, D), lambda i: (i, 0)),
        ],
        out_specs=pl.BlockSpec((rb, D), lambda i: (i, 0)),
        out_shape=jax.ShapeDtypeStruct((N, D), jnp.float32),
    )(pacc, pacc, pcnt, pcnt, h1)


def kernel(h, h_in, edge_index, W, b):
    del h_in
    h1 = _h1(h, W, b.reshape(1, D))

    src = edge_index[0].astype(jnp.int32)
    dst = edge_index[1].astype(jnp.int32)
    pad = E_PAD - E
    src_p = jnp.concatenate([src, jnp.zeros((pad,), jnp.int32)])
    dst_p = jnp.concatenate([dst, jnp.full((pad,), N, jnp.int32)])
    src_p = src_p.reshape(NW * NCHUNK, 1, K)
    dst_p = dst_p.reshape(NW * NCHUNK, 1, K)

    pacc, pcnt = _edge_sc(h1, src_p, dst_p)
    pacc = pacc.reshape(NC, N_PAD, D)
    pcnt = pcnt.reshape(NC, N_PAD, D)
    return _finalize(pacc, pcnt, h1)

# --- scband reference (transcript-rebuilt; emitter-appended) ---
"""Pipeline reference for scband-a-mean-op-52793738003171 (READ-ONLY COPY).

The authoritative reference and input builder live on the scoring server;
editing this copy changes nothing except your own understanding.
"""

import jax, jax.numpy as jnp
import numpy as np

N = 10000
E = 320000
D = 128

def setup_inputs(seed: int = 0) -> dict:
    key = jax.random.key(seed)
    k1, k2, k3, k4 = jax.random.split(key, 4)
    h = jax.random.normal(k1, (N, D), dtype=jnp.float32)
    h_in = jax.random.normal(k2, (N, D), dtype=jnp.float32)
    edge_index = jax.random.randint(k3, (2, E), 0, N)
    W = jax.random.normal(k4, (D, D), dtype=jnp.float32) * 0.02
    b = jnp.zeros((D,), dtype=jnp.float32)
    return {"h": h, "h_in": h_in, "edge_index": edge_index, "W": W, "b": b}

def reference(h, h_in, edge_index, W, b):
    # h = relu(linear(h))
    h1 = jax.nn.relu(h @ W.T + b)
    src = edge_index[0]
    dst = edge_index[1]
    # copy_src: messages are h1[src]; reduce_mean over mailbox grouped by dst
    msgs = jnp.take(h1, src, axis=0)
    summed = jax.ops.segment_sum(msgs, dst, num_segments=N)
    counts = jax.ops.segment_sum(jnp.ones((E,), dtype=h1.dtype), dst, num_segments=N)
    mean = summed / jnp.maximum(counts, 1.0)[:, None]
    # DGL UDF reduce: zero-in-degree nodes keep their current ndata['h'] (= h1)
    out = jnp.where(counts[:, None] > 0, mean, h1)
    return out

if __name__ == "__main__":
    import jax
    _d = setup_inputs()
    print(jax.jit(kernel)(*tuple(_d.values())))

</pallas_src>

<mosaic_0001>
#map = affine_map<(d0, d1) -> (0, 0)>
#map1 = affine_map<(d0, d1) -> (0, 0, 0)>
module attributes {stable_mosaic.version = 14 : i64} {
  func.func @_edge_body(%arg0: i32, %arg1: i32, %arg2: memref<10000x128xf32, #tpu.memory_space<hbm>>, %arg3: memref<2528x1x128xi32, #tpu.memory_space<hbm>>, %arg4: memref<2528x1x128xi32, #tpu.memory_space<hbm>>, %arg5: memref<20224x128xf32, #tpu.memory_space<hbm>>, %arg6: memref<20224x128xf32, #tpu.memory_space<hbm>>, %arg7: memref<1x128xi32, #tpu.memory_space<vmem>>, %arg8: memref<1x128xi32, #tpu.memory_space<vmem>>, %arg9: memref<128x128xf32, #tpu.memory_space<vmem>>, %arg10: memref<1x128xi32, #tpu.memory_space<vmem>>, %arg11: memref<10112x128xf32, #tpu.memory_space<vmem_shared>>, %arg12: memref<!tpu.dma_semaphore, #tpu.memory_space<semaphore_mem>>) attributes {dimension_semantics = [#tpu.dimension_semantics<core_parallel>, #tpu.dimension_semantics<subcore_parallel>], iteration_bounds = array<i64: 2, 16>, scalar_prefetch = 0 : i64, scratch_operands = 6 : i64, tpu.core_type = #tpu.core_type<sc_vector_subcore>, window_params = [{transform_indices = #map}, {transform_indices = #map1}, {transform_indices = #map1}, {transform_indices = #map}, {transform_indices = #map}]} {
    %mul3A = arith.constant 632 : i32
    %mul3A_0 = arith.muli %arg1, %mul3A : i32
    %eq3A = arith.constant 0 : i32
    %eq3A_1 = arith.cmpi eq, %arg0, %eq3A : i32
    %jit3A = arith.constant 95 : i32
    %jit3A_2 = arith.constant 63 : i32
    %select_n3A = arith.select %eq3A_1, %jit3A, %jit3A_2 : i32
    %eq3A_3 = arith.constant 0 : i32
    %eq3A_4 = arith.cmpi eq, %arg0, %eq3A_3 : i32
    %mul3A_5 = arith.constant 95 : i32
    %mul3A_6 = arith.muli %arg1, %mul3A_5 : i32
    %mul3A_7 = arith.constant 63 : i32
    %mul3A_8 = arith.muli %arg1, %mul3A_7 : i32
    %add3A = arith.constant 1520 : i32
    %add3A_9 = arith.addi %add3A, %mul3A_8 : i32
    %select_n3A_10 = arith.select %eq3A_4, %mul3A_6, %add3A_9 : i32
    %scan3A = arith.constant 0 : i32
    %scan3A_11 = arith.constant 0 : i32
    %scan3A_12 = arith.constant 1024 : i32
    %scan3A_13 = arith.addi %scan3A_11, %scan3A_12 : i32
    %scan3A_14 = arith.constant 1 : i32
    %scan3A_15 = scf.for %scan3A_266 = %scan3A_11 to %scan3A_13 step %scan3A_14 iter_args(%scan3A_267 = %scan3A) -> (i32)  : i32 {
      %broadcast_in_dim3A = arith.constant 0.000000e+00 : f32
      %broadcast_in_dim3A_268 = vector.broadcast %broadcast_in_dim3A : f32 to vector<16xf32>
      %jit3A_269 = arith.constant 8 : i32
      %div3A = arith.divsi %scan3A_266, %jit3A_269 : i32
      %sign3A = arith.constant 0 : i32
      %sign3A_270 = arith.cmpi sgt, %scan3A_266, %sign3A : i32
      %sign3A_271 = arith.extui %sign3A_270 : i1 to i32
      %sign3A_272 = arith.constant 0 : i32
      %sign3A_273 = arith.cmpi slt, %scan3A_266, %sign3A_272 : i32
      %sign3A_274 = arith.extui %sign3A_273 : i1 to i32
      %sign3A_275 = arith.subi %sign3A_271, %sign3A_274 : i32
      %sign3A_276 = arith.constant 0 : i32
      %sign3A_277 = arith.cmpi sgt, %jit3A_269, %sign3A_276 : i32
      %sign3A_278 = arith.extui %sign3A_277 : i1 to i32
      %sign3A_279 = arith.constant 0 : i32
      %sign3A_280 = arith.cmpi slt, %jit3A_269, %sign3A_279 : i32
      %sign3A_281 = arith.extui %sign3A_280 : i1 to i32
      %sign3A_282 = arith.subi %sign3A_278, %sign3A_281 : i32
      %ne3A = arith.cmpi ne, %sign3A_275, %sign3A_282 : i32
      %rem3A = arith.remsi %scan3A_266, %jit3A_269 : i32
      %ne3A_283 = arith.constant 0 : i32
      %ne3A_284 = arith.cmpi ne, %rem3A, %ne3A_283 : i32
      %and3A = arith.andi %ne3A, %ne3A_284 : i1
      %sub3A = arith.constant 1 : i32
      %sub3A_285 = arith.subi %div3A, %sub3A : i32
      %select_n3A_286 = arith.select %and3A, %sub3A_285, %div3A : i32
      %jit3A_287 = arith.constant 8 : i32
      %eq3A_288 = arith.constant 0 : i32
      %eq3A_289 = arith.cmpi eq, %jit3A_287, %eq3A_288 : i32
      %jit3A_290 = arith.constant 1 : i32
      %select_n3A_291 = arith.select %eq3A_289, %jit3A_290, %jit3A_287 : i32
      %rem3A_292 = arith.remsi %scan3A_266, %select_n3A_291 : i32
      %ne3A_293 = arith.constant 0 : i32
      %ne3A_294 = arith.cmpi ne, %rem3A_292, %ne3A_293 : i32
      %lt3A = arith.constant 0 : i32
      %lt3A_295 = arith.cmpi slt, %rem3A_292, %lt3A : i32
      %lt3A_296 = arith.constant 0 : i32
      %lt3A_297 = arith.cmpi slt, %select_n3A_291, %lt3A_296 : i32
      %ne3A_298 = arith.xori %lt3A_295, %lt3A_297 : i1
      %and3A_299 = arith.andi %ne3A_298, %ne3A_294 : i1
      %add3A_300 = arith.addi %rem3A_292, %select_n3A_291 : i32
      %select_n3A_301 = arith.select %and3A_299, %add3A_300, %rem3A_292 : i32
      %mul3A_302 = arith.constant 16 : i32
      %mul3A_303 = arith.muli %select_n3A_301, %mul3A_302 : i32
      %swap3A = arith.index_cast %select_n3A_286 : i32 to index
      %swap3A_304 = arith.index_cast %mul3A_303 : i32 to index
      %swap3A_305 = tpu.vector_load %arg9[%swap3A, %swap3A_304] {strides = array<i32>} : memref<128x128xf32, #tpu.memory_space<vmem>>, vector<1x16xf32>,
      %swap3A_306 = vector.shape_cast %swap3A_305 : vector<1x16xf32> to vector<16xf32>
      %swap3A_307 = vector.shape_cast %broadcast_in_dim3A_268 : vector<16xf32> to vector<1x16xf32>
      tpu.vector_store %arg9[%swap3A, %swap3A_304], %swap3A_307 {strides = array<i32>} : memref<128x128xf32, #tpu.memory_space<vmem>>, vector<1x16xf32>,
      %scan3A_308 = arith.constant 0 : i32
      scf.yield %scan3A_308 : i32
    }
    %scan3A_16 = arith.constant 1024 : i32
    %scan3A_17 = arith.constant 0 : i32
    %scan3A_18 = arith.constant 0 : i32
    %scan3A_19 = arith.constant 8 : i32
    %scan3A_20 = arith.addi %scan3A_18, %scan3A_19 : i32
    %scan3A_21 = arith.constant 1 : i32
    %scan3A_22 = scf.for %scan3A_266 = %scan3A_18 to %scan3A_20 step %scan3A_21 iter_args(%scan3A_267 = %scan3A_17) -> (i32)  : i32 {
      %add3A_268 = arith.constant 0 : i32
      %add3A_269 = arith.addi %mul3A_0, %add3A_268 : i32
      %mul3A_270 = arith.constant 16 : i32
      %mul3A_271 = arith.muli %scan3A_266, %mul3A_270 : i32
      %add3A_272 = arith.addi %add3A_269, %mul3A_271 : i32
      %iota3A = tpu.iota {dimensions = array<i32: 0>} : vector<16xi32>
      %add3A_273 = vector.broadcast %add3A_272 : i32 to vector<16xi32>
      %add3A_274 = arith.addi %add3A_273, %iota3A : vector<16xi32>
      %add3A_275 = arith.constant 632 : i32
      %add3A_276 = arith.addi %mul3A_0, %add3A_275 : i32
      %sub3A = arith.constant 1 : i32
      %sub3A_277 = arith.subi %add3A_276, %sub3A : i32
      %min3A = vector.broadcast %sub3A_277 : i32 to vector<16xi32>
      %min3A_278 = arith.minsi %add3A_274, %min3A : vector<16xi32>
      %mul3A_279 = arith.constant 16 : i32
      %mul3A_280 = arith.muli %scan3A_266, %mul3A_279 : i32
      %swap3A = arith.constant 0 : i32
      %swap3A_281 = arith.index_cast %swap3A : i32 to index
      %swap3A_282 = arith.index_cast %mul3A_280 : i32 to index
      %swap3A_283 = tpu.vector_load %arg10[%swap3A_281, %swap3A_282] {strides = array<i32>} : memref<1x128xi32, #tpu.memory_space<vmem>>, vector<1x16xi32>,
      %swap3A_284 = vector.shape_cast %swap3A_283 : vector<1x16xi32> to vector<16xi32>
      %swap3A_285 = vector.shape_cast %min3A_278 : vector<16xi32> to vector<1x16xi32>
      tpu.vector_store %arg10[%swap3A_281, %swap3A_282], %swap3A_285 {strides = array<i32>} : memref<1x128xi32, #tpu.memory_space<vmem>>, vector<1x16xi32>,
      %scan3A_286 = arith.constant 0 : i32
      scf.yield %scan3A_286 : i32
    }
    %scan3A_23 = arith.constant 8 : i32
    %run_scoped3A = arith.constant 0 : i32
    "tpu.region"() ({
      %run_scoped3A_266 = tpu.sem_alloc : memref<!tpu.dma_semaphore, #tpu.memory_space<semaphore_mem>>
      %dma_start3A = arith.constant 0 : i32
      %dma_start3A_267 = tpu.memref_slice %arg10[%run_scoped3A, %dma_start3A] : memref<1x128xi32, #tpu.memory_space<vmem>> -> memref<1x128xi32, #tpu.memory_space<vmem>>
      %dma_start3A_268 = tpu.memref_squeeze %dma_start3A_267 : memref<1x128xi32, #tpu.memory_space<vmem>> -> memref<128xi32, #tpu.memory_space<vmem>>
      %dma_start3A_269 = arith.constant 0 : i32
      %dma_start3A_270 = arith.constant 0 : i32
      %dma_start3A_271 = tpu.memref_slice %arg11[%dma_start3A_269, %dma_start3A_270] : memref<10112x128xf32, #tpu.memory_space<vmem_shared>> -> memref<10112x128xf32, #tpu.memory_space<vmem_shared>>
      tpu.enqueue_indirect_dma source(%arg9 : memref<128x128xf32, #tpu.memory_space<vmem>>) target(%dma_start3A_271 : memref<10112x128xf32, #tpu.memory_space<vmem_shared>>) offsets(%dma_start3A_268 : memref<128xi32, #tpu.memory_space<vmem>>) semaphore(%run_scoped3A_266 : memref<!tpu.dma_semaphore, #tpu.memory_space<semaphore_mem>>)
      %dma_wait3A = arith.constant 0 : i32
      %dma_wait3A_272 = tpu.memref_slice %arg10[%run_scoped3A, %dma_wait3A] : memref<1x128xi32, #tpu.memory_space<vmem>> -> memref<1x128xi32, #tpu.memory_space<vmem>>
      %dma_wait3A_273 = tpu.memref_squeeze %dma_wait3A_272 : memref<1x128xi32, #tpu.memory_space<vmem>> -> memref<128xi32, #tpu.memory_space<vmem>>
      %dma_wait3A_274 = arith.constant 0 : i32
      %dma_wait3A_275 = arith.constant 0 : i32
      %dma_wait3A_276 = tpu.memref_slice %arg11[%dma_wait3A_274, %dma_wait3A_275] : memref<10112x128xf32, #tpu.memory_space<vmem_shared>> -> memref<10112x128xf32, #tpu.memory_space<vmem_shared>>
      tpu.wait_indirect_dma semaphore(%run_scoped3A_266 : memref<!tpu.dma_semaphore, #tpu.memory_space<semaphore_mem>>) src(%arg9 : memref<128x128xf32, #tpu.memory_space<vmem>>) dst(%dma_wait3A_276 : memref<10112x128xf32, #tpu.memory_space<vmem_shared>>)
      tpu.yield
    }) : () -> ()
    %scan3A_24 = arith.constant 0 : i32
    %scan3A_25 = arith.constant 0 : i32
    %scan3A_26 = arith.constant 8 : i32
    %scan3A_27 = arith.addi %scan3A_25, %scan3A_26 : i32
    %scan3A_28 = arith.constant 1 : i32
    %scan3A_29 = scf.for %scan3A_266 = %scan3A_25 to %scan3A_27 step %scan3A_28 iter_args(%scan3A_267 = %scan3A_24) -> (i32)  : i32 {
      %add3A_268 = arith.constant 128 : i32
      %add3A_269 = arith.addi %mul3A_0, %add3A_268 : i32
      %mul3A_270 = arith.constant 16 : i32
      %mul3A_271 = arith.muli %scan3A_266, %mul3A_270 : i32
      %add3A_272 = arith.addi %add3A_269, %mul3A_271 : i32
      %iota3A = tpu.iota {dimensions = array<i32: 0>} : vector<16xi32>
      %add3A_273 = vector.broadcast %add3A_272 : i32 to vector<16xi32>
      %add3A_274 = arith.addi %add3A_273, %iota3A : vector<16xi32>
      %add3A_275 = arith.constant 632 : i32
      %add3A_276 = arith.addi %mul3A_0, %add3A_275 : i32
      %sub3A = arith.constant 1 : i32
      %sub3A_277 = arith.subi %add3A_276, %sub3A : i32
      %min3A = vector.broadcast %sub3A_277 : i32 to vector<16xi32>
      %min3A_278 = arith.minsi %add3A_274, %min3A : vector<16xi32>
      %mul3A_279 = arith.constant 16 : i32
      %mul3A_280 = arith.muli %scan3A_266, %mul3A_279 : i32
      %swap3A = arith.constant 0 : i32
      %swap3A_281 = arith.index_cast %swap3A : i32 to index
      %swap3A_282 = arith.index_cast %mul3A_280 : i32 to index
      %swap3A_283 = tpu.vector_load %arg10[%swap3A_281, %swap3A_282] {strides = array<i32>} : memref<1x128xi32, #tpu.memory_space<vmem>>, vector<1x16xi32>,
      %swap3A_284 = vector.shape_cast %swap3A_283 : vector<1x16xi32> to vector<16xi32>
      %swap3A_285 = vector.shape_cast %min3A_278 : vector<16xi32> to vector<1x16xi32>
      tpu.vector_store %arg10[%swap3A_281, %swap3A_282], %swap3A_285 {strides = array<i32>} : memref<1x128xi32, #tpu.memory_space<vmem>>, vector<1x16xi32>,
      %scan3A_286 = arith.constant 0 : i32
      scf.yield %scan3A_286 : i32
    }
    %scan3A_30 = arith.constant 8 : i32
    %run_scoped3A_31 = arith.constant 0 : i32
    "tpu.region"() ({
      %run_scoped3A_266 = tpu.sem_alloc : memref<!tpu.dma_semaphore, #tpu.memory_space<semaphore_mem>>
      %dma_start3A = arith.constant 0 : i32
      %dma_start3A_267 = tpu.memref_slice %arg10[%run_scoped3A_31, %dma_start3A] : memref<1x128xi32, #tpu.memory_space<vmem>> -> memref<1x128xi32, #tpu.memory_space<vmem>>
      %dma_start3A_268 = tpu.memref_squeeze %dma_start3A_267 : memref<1x128xi32, #tpu.memory_space<vmem>> -> memref<128xi32, #tpu.memory_space<vmem>>
      %dma_start3A_269 = arith.constant 0 : i32
      %dma_start3A_270 = arith.constant 0 : i32
      %dma_start3A_271 = tpu.memref_slice %arg11[%dma_start3A_269, %dma_start3A_270] : memref<10112x128xf32, #tpu.memory_space<vmem_shared>> -> memref<10112x128xf32, #tpu.memory_space<vmem_shared>>
      tpu.enqueue_indirect_dma source(%arg9 : memref<128x128xf32, #tpu.memory_space<vmem>>) target(%dma_start3A_271 : memref<10112x128xf32, #tpu.memory_space<vmem_shared>>) offsets(%dma_start3A_268 : memref<128xi32, #tpu.memory_space<vmem>>) semaphore(%run_scoped3A_266 : memref<!tpu.dma_semaphore, #tpu.memory_space<semaphore_mem>>)
      %dma_wait3A = arith.constant 0 : i32
      %dma_wait3A_272 = tpu.memref_slice %arg10[%run_scoped3A_31, %dma_wait3A] : memref<1x128xi32, #tpu.memory_space<vmem>> -> memref<1x128xi32, #tpu.memory_space<vmem>>
      %dma_wait3A_273 = tpu.memref_squeeze %dma_wait3A_272 : memref<1x128xi32, #tpu.memory_space<vmem>> -> memref<128xi32, #tpu.memory_space<vmem>>
      %dma_wait3A_274 = arith.constant 0 : i32
      %dma_wait3A_275 = arith.constant 0 : i32
      %dma_wait3A_276 = tpu.memref_slice %arg11[%dma_wait3A_274, %dma_wait3A_275] : memref<10112x128xf32, #tpu.memory_space<vmem_shared>> -> memref<10112x128xf32, #tpu.memory_space<vmem_shared>>
      tpu.wait_indirect_dma semaphore(%run_scoped3A_266 : memref<!tpu.dma_semaphore, #tpu.memory_space<semaphore_mem>>) src(%arg9 : memref<128x128xf32, #tpu.memory_space<vmem>>) dst(%dma_wait3A_276 : memref<10112x128xf32, #tpu.memory_space<vmem_shared>>)
      tpu.yield
    }) : () -> ()
    %scan3A_32 = arith.constant 0 : i32
    %scan3A_33 = arith.constant 0 : i32
    %scan3A_34 = arith.constant 8 : i32
    %scan3A_35 = arith.addi %scan3A_33, %scan3A_34 : i32
    %scan3A_36 = arith.constant 1 : i32
    %scan3A_37 = scf.for %scan3A_266 = %scan3A_33 to %scan3A_35 step %scan3A_36 iter_args(%scan3A_267 = %scan3A_32) -> (i32)  : i32 {
      %add3A_268 = arith.constant 256 : i32
      %add3A_269 = arith.addi %mul3A_0, %add3A_268 : i32
      %mul3A_270 = arith.constant 16 : i32
      %mul3A_271 = arith.muli %scan3A_266, %mul3A_270 : i32
      %add3A_272 = arith.addi %add3A_269, %mul3A_271 : i32
      %iota3A = tpu.iota {dimensions = array<i32: 0>} : vector<16xi32>
      %add3A_273 = vector.broadcast %add3A_272 : i32 to vector<16xi32>
      %add3A_274 = arith.addi %add3A_273, %iota3A : vector<16xi32>
      %add3A_275 = arith.constant 632 : i32
      %add3A_276 = arith.addi %mul3A_0, %add3A_275 : i32
      %sub3A = arith.constant 1 : i32
      %sub3A_277 = arith.subi %add3A_276, %sub3A : i32
      %min3A = vector.broadcast %sub3A_277 : i32 to vector<16xi32>
      %min3A_278 = arith.minsi %add3A_274, %min3A : vector<16xi32>
      %mul3A_279 = arith.constant 16 : i32
      %mul3A_280 = arith.muli %scan3A_266, %mul3A_279 : i32
      %swap3A = arith.constant 0 : i32
      %swap3A_281 = arith.index_cast %swap3A : i32 to index
      %swap3A_282 = arith.index_cast %mul3A_280 : i32 to index
      %swap3A_283 = tpu.vector_load %arg10[%swap3A_281, %swap3A_282] {strides = array<i32>} : memref<1x128xi32, #tpu.memory_space<vmem>>, vector<1x16xi32>,
      %swap3A_284 = vector.shape_cast %swap3A_283 : vector<1x16xi32> to vector<16xi32>
      %swap3A_285 = vector.shape_cast %min3A_278 : vector<16xi32> to vector<1x16xi32>
      tpu.vector_store %arg10[%swap3A_281, %swap3A_282], %swap3A_285 {strides = array<i32>} : memref<1x128xi32, #tpu.memory_space<vmem>>, vector<1x16xi32>,
      %scan3A_286 = arith.constant 0 : i32
      scf.yield %scan3A_286 : i32
    }
    %scan3A_38 = arith.constant 8 : i32
    %run_scoped3A_39 = arith.constant 0 : i32
    "tpu.region"() ({
      %run_scoped3A_266 = tpu.sem_alloc : memref<!tpu.dma_semaphore, #tpu.memory_space<semaphore_mem>>
      %dma_start3A = arith.constant 0 : i32
      %dma_start3A_267 = tpu.memref_slice %arg10[%run_scoped3A_39, %dma_start3A] : memref<1x128xi32, #tpu.memory_space<vmem>> -> memref<1x128xi32, #tpu.memory_space<vmem>>
      %dma_start3A_268 = tpu.memref_squeeze %dma_start3A_267 : memref<1x128xi32, #tpu.memory_space<vmem>> -> memref<128xi32, #tpu.memory_space<vmem>>
      %dma_start3A_269 = arith.constant 0 : i32
      %dma_start3A_270 = arith.constant 0 : i32
      %dma_start3A_271 = tpu.memref_slice %arg11[%dma_start3A_269, %dma_start3A_270] : memref<10112x128xf32, #tpu.memory_space<vmem_shared>> -> memref<10112x128xf32, #tpu.memory_space<vmem_shared>>
      tpu.enqueue_indirect_dma source(%arg9 : memref<128x128xf32, #tpu.memory_space<vmem>>) target(%dma_start3A_271 : memref<10112x128xf32, #tpu.memory_space<vmem_shared>>) offsets(%dma_start3A_268 : memref<128xi32, #tpu.memory_space<vmem>>) semaphore(%run_scoped3A_266 : memref<!tpu.dma_semaphore, #tpu.memory_space<semaphore_mem>>)
      %dma_wait3A = arith.constant 0 : i32
      %dma_wait3A_272 = tpu.memref_slice %arg10[%run_scoped3A_39, %dma_wait3A] : memref<1x128xi32, #tpu.memory_space<vmem>> -> memref<1x128xi32, #tpu.memory_space<vmem>>
      %dma_wait3A_273 = tpu.memref_squeeze %dma_wait3A_272 : memref<1x128xi32, #tpu.memory_space<vmem>> -> memref<128xi32, #tpu.memory_space<vmem>>
      %dma_wait3A_274 = arith.constant 0 : i32
      %dma_wait3A_275 = arith.constant 0 : i32
      %dma_wait3A_276 = tpu.memref_slice %arg11[%dma_wait3A_274, %dma_wait3A_275] : memref<10112x128xf32, #tpu.memory_space<vmem_shared>> -> memref<10112x128xf32, #tpu.memory_space<vmem_shared>>
      tpu.wait_indirect_dma semaphore(%run_scoped3A_266 : memref<!tpu.dma_semaphore, #tpu.memory_space<semaphore_mem>>) src(%arg9 : memref<128x128xf32, #tpu.memory_space<vmem>>) dst(%dma_wait3A_276 : memref<10112x128xf32, #tpu.memory_space<vmem_shared>>)
      tpu.yield
    }) : () -> ()
    %scan3A_40 = arith.constant 0 : i32
    %scan3A_41 = arith.constant 0 : i32
    %scan3A_42 = arith.constant 8 : i32
    %scan3A_43 = arith.addi %scan3A_41, %scan3A_42 : i32
    %scan3A_44 = arith.constant 1 : i32
    %scan3A_45 = scf.for %scan3A_266 = %scan3A_41 to %scan3A_43 step %scan3A_44 iter_args(%scan3A_267 = %scan3A_40) -> (i32)  : i32 {
      %add3A_268 = arith.constant 384 : i32
      %add3A_269 = arith.addi %mul3A_0, %add3A_268 : i32
      %mul3A_270 = arith.constant 16 : i32
      %mul3A_271 = arith.muli %scan3A_266, %mul3A_270 : i32
      %add3A_272 = arith.addi %add3A_269, %mul3A_271 : i32
      %iota3A = tpu.iota {dimensions = array<i32: 0>} : vector<16xi32>
      %add3A_273 = vector.broadcast %add3A_272 : i32 to vector<16xi32>
      %add3A_274 = arith.addi %add3A_273, %iota3A : vector<16xi32>
      %add3A_275 = arith.constant 632 : i32
      %add3A_276 = arith.addi %mul3A_0, %add3A_275 : i32
      %sub3A = arith.constant 1 : i32
      %sub3A_277 = arith.subi %add3A_276, %sub3A : i32
      %min3A = vector.broadcast %sub3A_277 : i32 to vector<16xi32>
      %min3A_278 = arith.minsi %add3A_274, %min3A : vector<16xi32>
      %mul3A_279 = arith.constant 16 : i32
      %mul3A_280 = arith.muli %scan3A_266, %mul3A_279 : i32
      %swap3A = arith.constant 0 : i32
      %swap3A_281 = arith.index_cast %swap3A : i32 to index
      %swap3A_282 = arith.index_cast %mul3A_280 : i32 to index
      %swap3A_283 = tpu.vector_load %arg10[%swap3A_281, %swap3A_282] {strides = array<i32>} : memref<1x128xi32, #tpu.memory_space<vmem>>, vector<1x16xi32>,
      %swap3A_284 = vector.shape_cast %swap3A_283 : vector<1x16xi32> to vector<16xi32>
      %swap3A_285 = vector.shape_cast %min3A_278 : vector<16xi32> to vector<1x16xi32>
      tpu.vector_store %arg10[%swap3A_281, %swap3A_282], %swap3A_285 {strides = array<i32>} : memref<1x128xi32, #tpu.memory_space<vmem>>, vector<1x16xi32>,
      %scan3A_286 = arith.constant 0 : i32
      scf.yield %scan3A_286 : i32
    }
    %scan3A_46 = arith.constant 8 : i32
    %run_scoped3A_47 = arith.constant 0 : i32
    "tpu.region"() ({
      %run_scoped3A_266 = tpu.sem_alloc : memref<!tpu.dma_semaphore, #tpu.memory_space<semaphore_mem>>
      %dma_start3A = arith.constant 0 : i32
      %dma_start3A_267 = tpu.memref_slice %arg10[%run_scoped3A_47, %dma_start3A] : memref<1x128xi32, #tpu.memory_space<vmem>> -> memref<1x128xi32, #tpu.memory_space<vmem>>
      %dma_start3A_268 = tpu.memref_squeeze %dma_start3A_267 : memref<1x128xi32, #tpu.memory_space<vmem>> -> memref<128xi32, #tpu.memory_space<vmem>>
      %dma_start3A_269 = arith.constant 0 : i32
      %dma_start3A_270 = arith.constant 0 : i32
      %dma_start3A_271 = tpu.memref_slice %arg11[%dma_start3A_269, %dma_start3A_270] : memref<10112x128xf32, #tpu.memory_space<vmem_shared>> -> memref<10112x128xf32, #tpu.memory_space<vmem_shared>>
      tpu.enqueue_indirect_dma source(%arg9 : memref<128x128xf32, #tpu.memory_space<vmem>>) target(%dma_start3A_271 : memref<10112x128xf32, #tpu.memory_space<vmem_shared>>) offsets(%dma_start3A_268 : memref<128xi32, #tpu.memory_space<vmem>>) semaphore(%run_scoped3A_266 : memref<!tpu.dma_semaphore, #tpu.memory_space<semaphore_mem>>)
      %dma_wait3A = arith.constant 0 : i32
      %dma_wait3A_272 = tpu.memref_slice %arg10[%run_scoped3A_47, %dma_wait3A] : memref<1x128xi32, #tpu.memory_space<vmem>> -> memref<1x128xi32, #tpu.memory_space<vmem>>
      %dma_wait3A_273 = tpu.memref_squeeze %dma_wait3A_272 : memref<1x128xi32, #tpu.memory_space<vmem>> -> memref<128xi32, #tpu.memory_space<vmem>>
      %dma_wait3A_274 = arith.constant 0 : i32
      %dma_wait3A_275 = arith.constant 0 : i32
      %dma_wait3A_276 = tpu.memref_slice %arg11[%dma_wait3A_274, %dma_wait3A_275] : memref<10112x128xf32, #tpu.memory_space<vmem_shared>> -> memref<10112x128xf32, #tpu.memory_space<vmem_shared>>
      tpu.wait_indirect_dma semaphore(%run_scoped3A_266 : memref<!tpu.dma_semaphore, #tpu.memory_space<semaphore_mem>>) src(%arg9 : memref<128x128xf32, #tpu.memory_space<vmem>>) dst(%dma_wait3A_276 : memref<10112x128xf32, #tpu.memory_space<vmem_shared>>)
      tpu.yield
    }) : () -> ()
    %scan3A_48 = arith.constant 0 : i32
    %scan3A_49 = arith.constant 0 : i32
    %scan3A_50 = arith.constant 8 : i32
    %scan3A_51 = arith.addi %scan3A_49, %scan3A_50 : i32
    %scan3A_52 = arith.constant 1 : i32
    %scan3A_53 = scf.for %scan3A_266 = %scan3A_49 to %scan3A_51 step %scan3A_52 iter_args(%scan3A_267 = %scan3A_48) -> (i32)  : i32 {
      %add3A_268 = arith.constant 512 : i32
      %add3A_269 = arith.addi %mul3A_0, %add3A_268 : i32
      %mul3A_270 = arith.constant 16 : i32
      %mul3A_271 = arith.muli %scan3A_266, %mul3A_270 : i32
      %add3A_272 = arith.addi %add3A_269, %mul3A_271 : i32
      %iota3A = tpu.iota {dimensions = array<i32: 0>} : vector<16xi32>
      %add3A_273 = vector.broadcast %add3A_272 : i32 to vector<16xi32>
      %add3A_274 = arith.addi %add3A_273, %iota3A : vector<16xi32>
      %add3A_275 = arith.constant 632 : i32
      %add3A_276 = arith.addi %mul3A_0, %add3A_275 : i32
      %sub3A = arith.constant 1 : i32
      %sub3A_277 = arith.subi %add3A_276, %sub3A : i32
      %min3A = vector.broadcast %sub3A_277 : i32 to vector<16xi32>
      %min3A_278 = arith.minsi %add3A_274, %min3A : vector<16xi32>
      %mul3A_279 = arith.constant 16 : i32
      %mul3A_280 = arith.muli %scan3A_266, %mul3A_279 : i32
      %swap3A = arith.constant 0 : i32
      %swap3A_281 = arith.index_cast %swap3A : i32 to index
      %swap3A_282 = arith.index_cast %mul3A_280 : i32 to index
      %swap3A_283 = tpu.vector_load %arg10[%swap3A_281, %swap3A_282] {strides = array<i32>} : memref<1x128xi32, #tpu.memory_space<vmem>>, vector<1x16xi32>,
      %swap3A_284 = vector.shape_cast %swap3A_283 : vector<1x16xi32> to vector<16xi32>
      %swap3A_285 = vector.shape_cast %min3A_278 : vector<16xi32> to vector<1x16xi32>
      tpu.vector_store %arg10[%swap3A_281, %swap3A_282], %swap3A_285 {strides = array<i32>} : memref<1x128xi32, #tpu.memory_space<vmem>>, vector<1x16xi32>,
      %scan3A_286 = arith.constant 0 : i32
      scf.yield %scan3A_286 : i32
    }
    %scan3A_54 = arith.constant 8 : i32
    %run_scoped3A_55 = arith.constant 0 : i32
    "tpu.region"() ({
      %run_scoped3A_266 = tpu.sem_alloc : memref<!tpu.dma_semaphore, #tpu.memory_space<semaphore_mem>>
      %dma_start3A = arith.constant 0 : i32
      %dma_start3A_267 = tpu.memref_slice %arg10[%run_scoped3A_55, %dma_start3A] : memref<1x128xi32, #tpu.memory_space<vmem>> -> memref<1x128xi32, #tpu.memory_space<vmem>>
      %dma_start3A_268 = tpu.memref_squeeze %dma_start3A_267 : memref<1x128xi32, #tpu.memory_space<vmem>> -> memref<128xi32, #tpu.memory_space<vmem>>
      %dma_start3A_269 = arith.constant 0 : i32
      %dma_start3A_270 = arith.constant 0 : i32
      %dma_start3A_271 = tpu.memref_slice %arg11[%dma_start3A_269, %dma_start3A_270] : memref<10112x128xf32, #tpu.memory_space<vmem_shared>> -> memref<10112x128xf32, #tpu.memory_space<vmem_shared>>
      tpu.enqueue_indirect_dma source(%arg9 : memref<128x128xf32, #tpu.memory_space<vmem>>) target(%dma_start3A_271 : memref<10112x128xf32, #tpu.memory_space<vmem_shared>>) offsets(%dma_start3A_268 : memref<128xi32, #tpu.memory_space<vmem>>) semaphore(%run_scoped3A_266 : memref<!tpu.dma_semaphore, #tpu.memory_space<semaphore_mem>>)
      %dma_wait3A = arith.constant 0 : i32
      %dma_wait3A_272 = tpu.memref_slice %arg10[%run_scoped3A_55, %dma_wait3A] : memref<1x128xi32, #tpu.memory_space<vmem>> -> memref<1x128xi32, #tpu.memory_space<vmem>>
      %dma_wait3A_273 = tpu.memref_squeeze %dma_wait3A_272 : memref<1x128xi32, #tpu.memory_space<vmem>> -> memref<128xi32, #tpu.memory_space<vmem>>
      %dma_wait3A_274 = arith.constant 0 : i32
      %dma_wait3A_275 = arith.constant 0 : i32
      %dma_wait3A_276 = tpu.memref_slice %arg11[%dma_wait3A_274, %dma_wait3A_275] : memref<10112x128xf32, #tpu.memory_space<vmem_shared>> -> memref<10112x128xf32, #tpu.memory_space<vmem_shared>>
      tpu.wait_indirect_dma semaphore(%run_scoped3A_266 : memref<!tpu.dma_semaphore, #tpu.memory_space<semaphore_mem>>) src(%arg9 : memref<128x128xf32, #tpu.memory_space<vmem>>) dst(%dma_wait3A_276 : memref<10112x128xf32, #tpu.memory_space<vmem_shared>>)
      tpu.yield
    }) : () -> ()
    %barrier3A = arith.constant 0 : index
    tpu.barrier barrier_id(%barrier3A)
    %while3A = arith.constant 0 : i32
    %while3A_56 = arith.constant 0 : i32
    %while3A_57 = arith.subi %select_n3A, %while3A : i32
    %while3A_58 = arith.addi %while3A, %while3A_57 : i32
    %while3A_59 = arith.constant 1 : i32
    %while3A_60 = arith.divsi %while3A_57, %while3A_59 : i32
    %while3A_61 = arith.muli %while3A_60, %while3A_59 : i32
    %while3A_62 = arith.addi %while3A, %while3A_61 : i32
    %while3A_63 = arith.constant 1 : i32
    %while3A_64 = scf.for %while3A_266 = %while3A to %while3A_62 step %while3A_63 iter_args(%while3A_267 = %while3A_56) -> (i32)  : i32 {
      %add3A_268 = arith.addi %select_n3A_10, %while3A_266 : i32
      "tpu.region"() ({
        %run_scoped3A_283 = tpu.sem_alloc : memref<!tpu.dma_semaphore, #tpu.memory_space<semaphore_mem>>
        %dma_start3A_284 = arith.constant 0 : i32
        %dma_start3A_285 = arith.constant 0 : i32
        %dma_start3A_286 = tpu.memref_slice %arg3[%add3A_268, %dma_start3A_284, %dma_start3A_285] : memref<2528x1x128xi32, #tpu.memory_space<hbm>> -> memref<1x1x128xi32, #tpu.memory_space<hbm>>
        %dma_start3A_287 = tpu.memref_squeeze %dma_start3A_286 : memref<1x1x128xi32, #tpu.memory_space<hbm>> -> memref<1x128xi32, #tpu.memory_space<hbm>>
        %dma_start3A_288 = arith.constant 0 : i32
        %dma_start3A_289 = arith.constant 0 : i32
        %dma_start3A_290 = tpu.memref_slice %arg3[%add3A_268, %dma_start3A_288, %dma_start3A_289] : memref<2528x1x128xi32, #tpu.memory_space<hbm>> -> memref<1x1x128xi32, #tpu.memory_space<hbm>>
        %dma_start3A_291 = tpu.memref_squeeze %dma_start3A_290 : memref<1x1x128xi32, #tpu.memory_space<hbm>> -> memref<1x128xi32, #tpu.memory_space<hbm>>
        tpu.enqueue_dma source(%dma_start3A_291 : memref<1x128xi32, #tpu.memory_space<hbm>>) target(%arg7 : memref<1x128xi32, #tpu.memory_space<vmem>>) target_semaphore(%run_scoped3A_283 : memref<!tpu.dma_semaphore, #tpu.memory_space<semaphore_mem>>)
        %dma_wait3A_292 = arith.constant 0 : i32
        %dma_wait3A_293 = arith.constant 0 : i32
        %dma_wait3A_294 = tpu.memref_slice %arg3[%add3A_268, %dma_wait3A_292, %dma_wait3A_293] : memref<2528x1x128xi32, #tpu.memory_space<hbm>> -> memref<1x1x128xi32, #tpu.memory_space<hbm>>
        %dma_wait3A_295 = tpu.memref_squeeze %dma_wait3A_294 : memref<1x1x128xi32, #tpu.memory_space<hbm>> -> memref<1x128xi32, #tpu.memory_space<hbm>>
        %dma_wait3A_296 = arith.constant 0 : i32
        %dma_wait3A_297 = arith.constant 0 : i32
        %dma_wait3A_298 = tpu.memref_slice %arg3[%add3A_268, %dma_wait3A_296, %dma_wait3A_297] : memref<2528x1x128xi32, #tpu.memory_space<hbm>> -> memref<1x1x128xi32, #tpu.memory_space<hbm>>
        %dma_wait3A_299 = tpu.memref_squeeze %dma_wait3A_298 : memref<1x1x128xi32, #tpu.memory_space<hbm>> -> memref<1x128xi32, #tpu.memory_space<hbm>>
        tpu.wait_dma2 semaphore(%run_scoped3A_283 : memref<!tpu.dma_semaphore, #tpu.memory_space<semaphore_mem>>) src(%dma_wait3A_299 : memref<1x128xi32, #tpu.memory_space<hbm>>) dst(%arg7 : memref<1x128xi32, #tpu.memory_space<vmem>>)
        tpu.yield
      }) : () -> ()
      "tpu.region"() ({
        %run_scoped3A_283 = tpu.sem_alloc : memref<!tpu.dma_semaphore, #tpu.memory_space<semaphore_mem>>
        %dma_start3A_284 = arith.constant 0 : i32
        %dma_start3A_285 = arith.constant 0 : i32
        %dma_start3A_286 = tpu.memref_slice %arg4[%add3A_268, %dma_start3A_284, %dma_start3A_285] : memref<2528x1x128xi32, #tpu.memory_space<hbm>> -> memref<1x1x128xi32, #tpu.memory_space<hbm>>
        %dma_start3A_287 = tpu.memref_squeeze %dma_start3A_286 : memref<1x1x128xi32, #tpu.memory_space<hbm>> -> memref<1x128xi32, #tpu.memory_space<hbm>>
        %dma_start3A_288 = arith.constant 0 : i32
        %dma_start3A_289 = arith.constant 0 : i32
        %dma_start3A_290 = tpu.memref_slice %arg4[%add3A_268, %dma_start3A_288, %dma_start3A_289] : memref<2528x1x128xi32, #tpu.memory_space<hbm>> -> memref<1x1x128xi32, #tpu.memory_space<hbm>>
        %dma_start3A_291 = tpu.memref_squeeze %dma_start3A_290 : memref<1x1x128xi32, #tpu.memory_space<hbm>> -> memref<1x128xi32, #tpu.memory_space<hbm>>
        tpu.enqueue_dma source(%dma_start3A_291 : memref<1x128xi32, #tpu.memory_space<hbm>>) target(%arg8 : memref<1x128xi32, #tpu.memory_space<vmem>>) target_semaphore(%run_scoped3A_283 : memref<!tpu.dma_semaphore, #tpu.memory_space<semaphore_mem>>)
        %dma_wait3A_292 = arith.constant 0 : i32
        %dma_wait3A_293 = arith.constant 0 : i32
        %dma_wait3A_294 = tpu.memref_slice %arg4[%add3A_268, %dma_wait3A_292, %dma_wait3A_293] : memref<2528x1x128xi32, #tpu.memory_space<hbm>> -> memref<1x1x128xi32, #tpu.memory_space<hbm>>
        %dma_wait3A_295 = tpu.memref_squeeze %dma_wait3A_294 : memref<1x1x128xi32, #tpu.memory_space<hbm>> -> memref<1x128xi32, #tpu.memory_space<hbm>>
        %dma_wait3A_296 = arith.constant 0 : i32
        %dma_wait3A_297 = arith.constant 0 : i32
        %dma_wait3A_298 = tpu.memref_slice %arg4[%add3A_268, %dma_wait3A_296, %dma_wait3A_297] : memref<2528x1x128xi32, #tpu.memory_space<hbm>> -> memref<1x1x128xi32, #tpu.memory_space<hbm>>
        %dma_wait3A_299 = tpu.memref_squeeze %dma_wait3A_298 : memref<1x1x128xi32, #tpu.memory_space<hbm>> -> memref<1x128xi32, #tpu.memory_space<hbm>>
        tpu.wait_dma2 semaphore(%run_scoped3A_283 : memref<!tpu.dma_semaphore, #tpu.memory_space<semaphore_mem>>) src(%dma_wait3A_299 : memref<1x128xi32, #tpu.memory_space<hbm>>) dst(%arg8 : memref<1x128xi32, #tpu.memory_space<vmem>>)
        tpu.yield
      }) : () -> ()
      %dma_start3A = arith.constant 0 : i32
      %dma_start3A_269 = arith.constant 0 : i32
      %dma_start3A_270 = tpu.memref_slice %arg7[%dma_start3A, %dma_start3A_269] : memref<1x128xi32, #tpu.memory_space<vmem>> -> memref<1x128xi32, #tpu.memory_space<vmem>>
      %dma_start3A_271 = tpu.memref_squeeze %dma_start3A_270 : memref<1x128xi32, #tpu.memory_space<vmem>> -> memref<128xi32, #tpu.memory_space<vmem>>
      %dma_start3A_272 = arith.constant 0 : i32
      %dma_start3A_273 = arith.constant 0 : i32
      %dma_start3A_274 = tpu.memref_slice %arg2[%dma_start3A_272, %dma_start3A_273] : memref<10000x128xf32, #tpu.memory_space<hbm>> -> memref<10000x128xf32, #tpu.memory_space<hbm>>
      tpu.enqueue_indirect_dma source(%dma_start3A_274 : memref<10000x128xf32, #tpu.memory_space<hbm>>) target(%arg9 : memref<128x128xf32, #tpu.memory_space<vmem>>) offsets(%dma_start3A_271 : memref<128xi32, #tpu.memory_space<vmem>>) semaphore(%arg12 : memref<!tpu.dma_semaphore, #tpu.memory_space<semaphore_mem>>)
      %dma_wait3A = arith.constant 0 : i32
      %dma_wait3A_275 = arith.constant 0 : i32
      %dma_wait3A_276 = tpu.memref_slice %arg7[%dma_wait3A, %dma_wait3A_275] : memref<1x128xi32, #tpu.memory_space<vmem>> -> memref<1x128xi32, #tpu.memory_space<vmem>>
      %dma_wait3A_277 = tpu.memref_squeeze %dma_wait3A_276 : memref<1x128xi32, #tpu.memory_space<vmem>> -> memref<128xi32, #tpu.memory_space<vmem>>
      %dma_wait3A_278 = arith.constant 0 : i32
      %dma_wait3A_279 = arith.constant 0 : i32
      %dma_wait3A_280 = tpu.memref_slice %arg2[%dma_wait3A_278, %dma_wait3A_279] : memref<10000x128xf32, #tpu.memory_space<hbm>> -> memref<10000x128xf32, #tpu.memory_space<hbm>>
      tpu.wait_indirect_dma semaphore(%arg12 : memref<!tpu.dma_semaphore, #tpu.memory_space<semaphore_mem>>) src(%dma_wait3A_280 : memref<10000x128xf32, #tpu.memory_space<hbm>>) dst(%arg9 : memref<128x128xf32, #tpu.memory_space<vmem>>)
      %run_scoped3A_281 = arith.constant 0 : i32
      "tpu.region"() ({
        %run_scoped3A_283 = tpu.sem_alloc : memref<!tpu.dma_semaphore, #tpu.memory_space<semaphore_mem>>
        %dma_start3A_284 = arith.constant 0 : i32
        %dma_start3A_285 = tpu.memref_slice %arg8[%run_scoped3A_281, %dma_start3A_284] : memref<1x128xi32, #tpu.memory_space<vmem>> -> memref<1x128xi32, #tpu.memory_space<vmem>>
        %dma_start3A_286 = tpu.memref_squeeze %dma_start3A_285 : memref<1x128xi32, #tpu.memory_space<vmem>> -> memref<128xi32, #tpu.memory_space<vmem>>
        %dma_start3A_287 = arith.constant 0 : i32
        %dma_start3A_288 = arith.constant 0 : i32
        %dma_start3A_289 = tpu.memref_slice %arg11[%dma_start3A_287, %dma_start3A_288] : memref<10112x128xf32, #tpu.memory_space<vmem_shared>> -> memref<10112x128xf32, #tpu.memory_space<vmem_shared>>
        tpu.enqueue_indirect_dma source(%arg9 : memref<128x128xf32, #tpu.memory_space<vmem>>) target(%dma_start3A_289 : memref<10112x128xf32, #tpu.memory_space<vmem_shared>>) offsets(%dma_start3A_286 : memref<128xi32, #tpu.memory_space<vmem>>) semaphore(%run_scoped3A_283 : memref<!tpu.dma_semaphore, #tpu.memory_space<semaphore_mem>>) {add = true}
        %dma_wait3A_290 = arith.constant 0 : i32
        %dma_wait3A_291 = tpu.memref_slice %arg8[%run_scoped3A_281, %dma_wait3A_290] : memref<1x128xi32, #tpu.memory_space<vmem>> -> memref<1x128xi32, #tpu.memory_space<vmem>>
        %dma_wait3A_292 = tpu.memref_squeeze %dma_wait3A_291 : memref<1x128xi32, #tpu.memory_space<vmem>> -> memref<128xi32, #tpu.memory_space<vmem>>
        %dma_wait3A_293 = arith.constant 0 : i32
        %dma_wait3A_294 = arith.constant 0 : i32
        %dma_wait3A_295 = tpu.memref_slice %arg11[%dma_wait3A_293, %dma_wait3A_294] : memref<10112x128xf32, #tpu.memory_space<vmem_shared>> -> memref<10112x128xf32, #tpu.memory_space<vmem_shared>>
        tpu.wait_indirect_dma semaphore(%run_scoped3A_283 : memref<!tpu.dma_semaphore, #tpu.memory_space<semaphore_mem>>) src(%arg9 : memref<128x128xf32, #tpu.memory_space<vmem>>) dst(%dma_wait3A_295 : memref<10112x128xf32, #tpu.memory_space<vmem_shared>>)
        tpu.yield
      }) : () -> ()
      %while3A_282 = arith.constant 0 : i32
      scf.yield %while3A_282 : i32
    }
    %while3A_65 = arith.constant 1 : i32
    %while3A_66 = scf.for %while3A_266 = %while3A_62 to %while3A_58 step %while3A_65 iter_args(%while3A_267 = %while3A_64) -> (i32)  : i32 {
      %add3A_268 = arith.addi %select_n3A_10, %while3A_266 : i32
      "tpu.region"() ({
        %run_scoped3A_283 = tpu.sem_alloc : memref<!tpu.dma_semaphore, #tpu.memory_space<semaphore_mem>>
        %dma_start3A_284 = arith.constant 0 : i32
        %dma_start3A_285 = arith.constant 0 : i32
        %dma_start3A_286 = tpu.memref_slice %arg3[%add3A_268, %dma_start3A_284, %dma_start3A_285] : memref<2528x1x128xi32, #tpu.memory_space<hbm>> -> memref<1x1x128xi32, #tpu.memory_space<hbm>>
        %dma_start3A_287 = tpu.memref_squeeze %dma_start3A_286 : memref<1x1x128xi32, #tpu.memory_space<hbm>> -> memref<1x128xi32, #tpu.memory_space<hbm>>
        %dma_start3A_288 = arith.constant 0 : i32
        %dma_start3A_289 = arith.constant 0 : i32
        %dma_start3A_290 = tpu.memref_slice %arg3[%add3A_268, %dma_start3A_288, %dma_start3A_289] : memref<2528x1x128xi32, #tpu.memory_space<hbm>> -> memref<1x1x128xi32, #tpu.memory_space<hbm>>
        %dma_start3A_291 = tpu.memref_squeeze %dma_start3A_290 : memref<1x1x128xi32, #tpu.memory_space<hbm>> -> memref<1x128xi32, #tpu.memory_space<hbm>>
        tpu.enqueue_dma source(%dma_start3A_291 : memref<1x128xi32, #tpu.memory_space<hbm>>) target(%arg7 : memref<1x128xi32, #tpu.memory_space<vmem>>) target_semaphore(%run_scoped3A_283 : memref<!tpu.dma_semaphore, #tpu.memory_space<semaphore_mem>>)
        %dma_wait3A_292 = arith.constant 0 : i32
        %dma_wait3A_293 = arith.constant 0 : i32
        %dma_wait3A_294 = tpu.memref_slice %arg3[%add3A_268, %dma_wait3A_292, %dma_wait3A_293] : memref<2528x1x128xi32, #tpu.memory_space<hbm>> -> memref<1x1x128xi32, #tpu.memory_space<hbm>>
        %dma_wait3A_295 = tpu.memref_squeeze %dma_wait3A_294 : memref<1x1x128xi32, #tpu.memory_space<hbm>> -> memref<1x128xi32, #tpu.memory_space<hbm>>
        %dma_wait3A_296 = arith.constant 0 : i32
        %dma_wait3A_297 = arith.constant 0 : i32
        %dma_wait3A_298 = tpu.memref_slice %arg3[%add3A_268, %dma_wait3A_296, %dma_wait3A_297] : memref<2528x1x128xi32, #tpu.memory_space<hbm>> -> memref<1x1x128xi32, #tpu.memory_space<hbm>>
        %dma_wait3A_299 = tpu.memref_squeeze %dma_wait3A_298 : memref<1x1x128xi32, #tpu.memory_space<hbm>> -> memref<1x128xi32, #tpu.memory_space<hbm>>
        tpu.wait_dma2 semaphore(%run_scoped3A_283 : memref<!tpu.dma_semaphore, #tpu.memory_space<semaphore_mem>>) src(%dma_wait3A_299 : memref<1x128xi32, #tpu.memory_space<hbm>>) dst(%arg7 : memref<1x128xi32, #tpu.memory_space<vmem>>)
        tpu.yield
      }) : () -> ()
      "tpu.region"() ({
        %run_scoped3A_283 = tpu.sem_alloc : memref<!tpu.dma_semaphore, #tpu.memory_space<semaphore_mem>>
        %dma_start3A_284 = arith.constant 0 : i32
        %dma_start3A_285 = arith.constant 0 : i32
        %dma_start3A_286 = tpu.memref_slice %arg4[%add3A_268, %dma_start3A_284, %dma_start3A_285] : memref<2528x1x128xi32, #tpu.memory_space<hbm>> -> memref<1x1x128xi32, #tpu.memory_space<hbm>>
        %dma_start3A_287 = tpu.memref_squeeze %dma_start3A_286 : memref<1x1x128xi32, #tpu.memory_space<hbm>> -> memref<1x128xi32, #tpu.memory_space<hbm>>
        %dma_start3A_288 = arith.constant 0 : i32
        %dma_start3A_289 = arith.constant 0 : i32
        %dma_start3A_290 = tpu.memref_slice %arg4[%add3A_268, %dma_start3A_288, %dma_start3A_289] : memref<2528x1x128xi32, #tpu.memory_space<hbm>> -> memref<1x1x128xi32, #tpu.memory_space<hbm>>
        %dma_start3A_291 = tpu.memref_squeeze %dma_start3A_290 : memref<1x1x128xi32, #tpu.memory_space<hbm>> -> memref<1x128xi32, #tpu.memory_space<hbm>>
        tpu.enqueue_dma source(%dma_start3A_291 : memref<1x128xi32, #tpu.memory_space<hbm>>) target(%arg8 : memref<1x128xi32, #tpu.memory_space<vmem>>) target_semaphore(%run_scoped3A_283 : memref<!tpu.dma_semaphore, #tpu.memory_space<semaphore_mem>>)
        %dma_wait3A_292 = arith.constant 0 : i32
        %dma_wait3A_293 = arith.constant 0 : i32
        %dma_wait3A_294 = tpu.memref_slice %arg4[%add3A_268, %dma_wait3A_292, %dma_wait3A_293] : memref<2528x1x128xi32, #tpu.memory_space<hbm>> -> memref<1x1x128xi32, #tpu.memory_space<hbm>>
        %dma_wait3A_295 = tpu.memref_squeeze %dma_wait3A_294 : memref<1x1x128xi32, #tpu.memory_space<hbm>> -> memref<1x128xi32, #tpu.memory_space<hbm>>
        %dma_wait3A_296 = arith.constant 0 : i32
        %dma_wait3A_297 = arith.constant 0 : i32
        %dma_wait3A_298 = tpu.memref_slice %arg4[%add3A_268, %dma_wait3A_296, %dma_wait3A_297] : memref<2528x1x128xi32, #tpu.memory_space<hbm>> -> memref<1x1x128xi32, #tpu.memory_space<hbm>>
        %dma_wait3A_299 = tpu.memref_squeeze %dma_wait3A_298 : memref<1x1x128xi32, #tpu.memory_space<hbm>> -> memref<1x128xi32, #tpu.memory_space<hbm>>
        tpu.wait_dma2 semaphore(%run_scoped3A_283 : memref<!tpu.dma_semaphore, #tpu.memory_space<semaphore_mem>>) src(%dma_wait3A_299 : memref<1x128xi32, #tpu.memory_space<hbm>>) dst(%arg8 : memref<1x128xi32, #tpu.memory_space<vmem>>)
        tpu.yield
      }) : () -> ()
      %dma_start3A = arith.constant 0 : i32
      %dma_start3A_269 = arith.constant 0 : i32
      %dma_start3A_270 = tpu.memref_slice %arg7[%dma_start3A, %dma_start3A_269] : memref<1x128xi32, #tpu.memory_space<vmem>> -> memref<1x128xi32, #tpu.memory_space<vmem>>
      %dma_start3A_271 = tpu.memref_squeeze %dma_start3A_270 : memref<1x128xi32, #tpu.memory_space<vmem>> -> memref<128xi32, #tpu.memory_space<vmem>>
      %dma_start3A_272 = arith.constant 0 : i32
      %dma_start3A_273 = arith.constant 0 : i32
      %dma_start3A_274 = tpu.memref_slice %arg2[%dma_start3A_272, %dma_start3A_273] : memref<10000x128xf32, #tpu.memory_space<hbm>> -> memref<10000x128xf32, #tpu.memory_space<hbm>>
      tpu.enqueue_indirect_dma source(%dma_start3A_274 : memref<10000x128xf32, #tpu.memory_space<hbm>>) target(%arg9 : memref<128x128xf32, #tpu.memory_space<vmem>>) offsets(%dma_start3A_271 : memref<128xi32, #tpu.memory_space<vmem>>) semaphore(%arg12 : memref<!tpu.dma_semaphore, #tpu.memory_space<semaphore_mem>>)
      %dma_wait3A = arith.constant 0 : i32
      %dma_wait3A_275 = arith.constant 0 : i32
      %dma_wait3A_276 = tpu.memref_slice %arg7[%dma_wait3A, %dma_wait3A_275] : memref<1x128xi32, #tpu.memory_space<vmem>> -> memref<1x128xi32, #tpu.memory_space<vmem>>
      %dma_wait3A_277 = tpu.memref_squeeze %dma_wait3A_276 : memref<1x128xi32, #tpu.memory_space<vmem>> -> memref<128xi32, #tpu.memory_space<vmem>>
      %dma_wait3A_278 = arith.constant 0 : i32
      %dma_wait3A_279 = arith.constant 0 : i32
      %dma_wait3A_280 = tpu.memref_slice %arg2[%dma_wait3A_278, %dma_wait3A_279] : memref<10000x128xf32, #tpu.memory_space<hbm>> -> memref<10000x128xf32, #tpu.memory_space<hbm>>
      tpu.wait_indirect_dma semaphore(%arg12 : memref<!tpu.dma_semaphore, #tpu.memory_space<semaphore_mem>>) src(%dma_wait3A_280 : memref<10000x128xf32, #tpu.memory_space<hbm>>) dst(%arg9 : memref<128x128xf32, #tpu.memory_space<vmem>>)
      %run_scoped3A_281 = arith.constant 0 : i32
      "tpu.region"() ({
        %run_scoped3A_283 = tpu.sem_alloc : memref<!tpu.dma_semaphore, #tpu.memory_space<semaphore_mem>>
        %dma_start3A_284 = arith.constant 0 : i32
        %dma_start3A_285 = tpu.memref_slice %arg8[%run_scoped3A_281, %dma_start3A_284] : memref<1x128xi32, #tpu.memory_space<vmem>> -> memref<1x128xi32, #tpu.memory_space<vmem>>
        %dma_start3A_286 = tpu.memref_squeeze %dma_start3A_285 : memref<1x128xi32, #tpu.memory_space<vmem>> -> memref<128xi32, #tpu.memory_space<vmem>>
        %dma_start3A_287 = arith.constant 0 : i32
        %dma_start3A_288 = arith.constant 0 : i32
        %dma_start3A_289 = tpu.memref_slice %arg11[%dma_start3A_287, %dma_start3A_288] : memref<10112x128xf32, #tpu.memory_space<vmem_shared>> -> memref<10112x128xf32, #tpu.memory_space<vmem_shared>>
        tpu.enqueue_indirect_dma source(%arg9 : memref<128x128xf32, #tpu.memory_space<vmem>>) target(%dma_start3A_289 : memref<10112x128xf32, #tpu.memory_space<vmem_shared>>) offsets(%dma_start3A_286 : memref<128xi32, #tpu.memory_space<vmem>>) semaphore(%run_scoped3A_283 : memref<!tpu.dma_semaphore, #tpu.memory_space<semaphore_mem>>) {add = true}
        %dma_wait3A_290 = arith.constant 0 : i32
        %dma_wait3A_291 = tpu.memref_slice %arg8[%run_scoped3A_281, %dma_wait3A_290] : memref<1x128xi32, #tpu.memory_space<vmem>> -> memref<1x128xi32, #tpu.memory_space<vmem>>
        %dma_wait3A_292 = tpu.memref_squeeze %dma_wait3A_291 : memref<1x128xi32, #tpu.memory_space<vmem>> -> memref<128xi32, #tpu.memory_space<vmem>>
        %dma_wait3A_293 = arith.constant 0 : i32
        %dma_wait3A_294 = arith.constant 0 : i32
        %dma_wait3A_295 = tpu.memref_slice %arg11[%dma_wait3A_293, %dma_wait3A_294] : memref<10112x128xf32, #tpu.memory_space<vmem_shared>> -> memref<10112x128xf32, #tpu.memory_space<vmem_shared>>
        tpu.wait_indirect_dma semaphore(%run_scoped3A_283 : memref<!tpu.dma_semaphore, #tpu.memory_space<semaphore_mem>>) src(%arg9 : memref<128x128xf32, #tpu.memory_space<vmem>>) dst(%dma_wait3A_295 : memref<10112x128xf32, #tpu.memory_space<vmem_shared>>)
        tpu.yield
      }) : () -> ()
      %while3A_282 = arith.constant 0 : i32
      scf.yield %while3A_282 : i32
    }
    %barrier3A_67 = arith.constant 0 : index
    tpu.barrier barrier_id(%barrier3A_67)
    %scan3A_68 = arith.constant 0 : i32
    %scan3A_69 = arith.constant 0 : i32
    %scan3A_70 = arith.constant 8 : i32
    %scan3A_71 = arith.addi %scan3A_69, %scan3A_70 : i32
    %scan3A_72 = arith.constant 1 : i32
    %scan3A_73 = scf.for %scan3A_266 = %scan3A_69 to %scan3A_71 step %scan3A_72 iter_args(%scan3A_267 = %scan3A_68) -> (i32)  : i32 {
      %add3A_268 = arith.constant 0 : i32
      %add3A_269 = arith.addi %mul3A_0, %add3A_268 : i32
      %mul3A_270 = arith.constant 16 : i32
      %mul3A_271 = arith.muli %scan3A_266, %mul3A_270 : i32
      %add3A_272 = arith.addi %add3A_269, %mul3A_271 : i32
      %iota3A = tpu.iota {dimensions = array<i32: 0>} : vector<16xi32>
      %add3A_273 = vector.broadcast %add3A_272 : i32 to vector<16xi32>
      %add3A_274 = arith.addi %add3A_273, %iota3A : vector<16xi32>
      %add3A_275 = arith.constant 632 : i32
      %add3A_276 = arith.addi %mul3A_0, %add3A_275 : i32
      %sub3A = arith.constant 1 : i32
      %sub3A_277 = arith.subi %add3A_276, %sub3A : i32
      %min3A = vector.broadcast %sub3A_277 : i32 to vector<16xi32>
      %min3A_278 = arith.minsi %add3A_274, %min3A : vector<16xi32>
      %mul3A_279 = arith.constant 16 : i32
      %mul3A_280 = arith.muli %scan3A_266, %mul3A_279 : i32
      %swap3A = arith.constant 0 : i32
      %swap3A_281 = arith.index_cast %swap3A : i32 to index
      %swap3A_282 = arith.index_cast %mul3A_280 : i32 to index
      %swap3A_283 = tpu.vector_load %arg10[%swap3A_281, %swap3A_282] {strides = array<i32>} : memref<1x128xi32, #tpu.memory_space<vmem>>, vector<1x16xi32>,
      %swap3A_284 = vector.shape_cast %swap3A_283 : vector<1x16xi32> to vector<16xi32>
      %swap3A_285 = vector.shape_cast %min3A_278 : vector<16xi32> to vector<1x16xi32>
      tpu.vector_store %arg10[%swap3A_281, %swap3A_282], %swap3A_285 {strides = array<i32>} : memref<1x128xi32, #tpu.memory_space<vmem>>, vector<1x16xi32>,
      %scan3A_286 = arith.constant 0 : i32
      scf.yield %scan3A_286 : i32
    }
    %scan3A_74 = arith.constant 8 : i32
    %run_scoped3A_75 = arith.constant 0 : i32
    "tpu.region"() ({
      %run_scoped3A_266 = tpu.sem_alloc : memref<!tpu.dma_semaphore, #tpu.memory_space<semaphore_mem>>
      %dma_start3A = arith.constant 0 : i32
      %dma_start3A_267 = tpu.memref_slice %arg10[%run_scoped3A_75, %dma_start3A] : memref<1x128xi32, #tpu.memory_space<vmem>> -> memref<1x128xi32, #tpu.memory_space<vmem>>
      %dma_start3A_268 = tpu.memref_squeeze %dma_start3A_267 : memref<1x128xi32, #tpu.memory_space<vmem>> -> memref<128xi32, #tpu.memory_space<vmem>>
      %dma_start3A_269 = arith.constant 0 : i32
      %dma_start3A_270 = arith.constant 0 : i32
      %dma_start3A_271 = tpu.memref_slice %arg11[%dma_start3A_269, %dma_start3A_270] : memref<10112x128xf32, #tpu.memory_space<vmem_shared>> -> memref<10112x128xf32, #tpu.memory_space<vmem_shared>>
      tpu.enqueue_indirect_dma source(%dma_start3A_271 : memref<10112x128xf32, #tpu.memory_space<vmem_shared>>) target(%arg9 : memref<128x128xf32, #tpu.memory_space<vmem>>) offsets(%dma_start3A_268 : memref<128xi32, #tpu.memory_space<vmem>>) semaphore(%run_scoped3A_266 : memref<!tpu.dma_semaphore, #tpu.memory_space<semaphore_mem>>)
      %dma_wait3A = arith.constant 0 : i32
      %dma_wait3A_272 = tpu.memref_slice %arg10[%run_scoped3A_75, %dma_wait3A] : memref<1x128xi32, #tpu.memory_space<vmem>> -> memref<1x128xi32, #tpu.memory_space<vmem>>
      %dma_wait3A_273 = tpu.memref_squeeze %dma_wait3A_272 : memref<1x128xi32, #tpu.memory_space<vmem>> -> memref<128xi32, #tpu.memory_space<vmem>>
      %dma_wait3A_274 = arith.constant 0 : i32
      %dma_wait3A_275 = arith.constant 0 : i32
      %dma_wait3A_276 = tpu.memref_slice %arg11[%dma_wait3A_274, %dma_wait3A_275] : memref<10112x128xf32, #tpu.memory_space<vmem_shared>> -> memref<10112x128xf32, #tpu.memory_space<vmem_shared>>
      tpu.wait_indirect_dma semaphore(%run_scoped3A_266 : memref<!tpu.dma_semaphore, #tpu.memory_space<semaphore_mem>>) src(%dma_wait3A_276 : memref<10112x128xf32, #tpu.memory_space<vmem_shared>>) dst(%arg9 : memref<128x128xf32, #tpu.memory_space<vmem>>)
      tpu.yield
    }) : () -> ()
    %mul3A_76 = arith.constant 10112 : i32
    %mul3A_77 = arith.muli %arg0, %mul3A_76 : i32
    %add3A_78 = arith.addi %mul3A_77, %mul3A_0 : i32
    %add3A_79 = arith.constant 0 : i32
    %add3A_80 = arith.addi %add3A_78, %add3A_79 : i32
    "tpu.region"() ({
      %run_scoped3A_266 = tpu.sem_alloc : memref<!tpu.dma_semaphore, #tpu.memory_space<semaphore_mem>>
      %dma_start3A = arith.constant 0 : i32
      %dma_start3A_267 = arith.constant 0 : i32
      %dma_start3A_268 = tpu.memref_slice %arg9[%dma_start3A, %dma_start3A_267] : memref<128x128xf32, #tpu.memory_space<vmem>> -> memref<128x128xf32, #tpu.memory_space<vmem>>
      %dma_start3A_269 = arith.constant 0 : i32
      %dma_start3A_270 = tpu.memref_slice %arg5[%add3A_80, %dma_start3A_269] : memref<20224x128xf32, #tpu.memory_space<hbm>> -> memref<128x128xf32, #tpu.memory_space<hbm>>
      %dma_start3A_271 = arith.constant 0 : i32
      %dma_start3A_272 = tpu.memref_slice %arg5[%add3A_80, %dma_start3A_271] : memref<20224x128xf32, #tpu.memory_space<hbm>> -> memref<128x128xf32, #tpu.memory_space<hbm>>
      %dma_start3A_273 = arith.constant 0 : i32
      %dma_start3A_274 = arith.constant 0 : i32
      %dma_start3A_275 = tpu.memref_slice %arg9[%dma_start3A_273, %dma_start3A_274] : memref<128x128xf32, #tpu.memory_space<vmem>> -> memref<128x128xf32, #tpu.memory_space<vmem>>
      tpu.enqueue_dma source(%dma_start3A_275 : memref<128x128xf32, #tpu.memory_space<vmem>>) target(%dma_start3A_272 : memref<128x128xf32, #tpu.memory_space<hbm>>) target_semaphore(%run_scoped3A_266 : memref<!tpu.dma_semaphore, #tpu.memory_space<semaphore_mem>>)
      %dma_wait3A = arith.constant 0 : i32
      %dma_wait3A_276 = arith.constant 0 : i32
      %dma_wait3A_277 = tpu.memref_slice %arg9[%dma_wait3A, %dma_wait3A_276] : memref<128x128xf32, #tpu.memory_space<vmem>> -> memref<128x128xf32, #tpu.memory_space<vmem>>
      %dma_wait3A_278 = arith.constant 0 : i32
      %dma_wait3A_279 = tpu.memref_slice %arg5[%add3A_80, %dma_wait3A_278] : memref<20224x128xf32, #tpu.memory_space<hbm>> -> memref<128x128xf32, #tpu.memory_space<hbm>>
      %dma_wait3A_280 = arith.constant 0 : i32
      %dma_wait3A_281 = tpu.memref_slice %arg5[%add3A_80, %dma_wait3A_280] : memref<20224x128xf32, #tpu.memory_space<hbm>> -> memref<128x128xf32, #tpu.memory_space<hbm>>
      %dma_wait3A_282 = arith.constant 0 : i32
      %dma_wait3A_283 = arith.constant 0 : i32
      %dma_wait3A_284 = tpu.memref_slice %arg9[%dma_wait3A_282, %dma_wait3A_283] : memref<128x128xf32, #tpu.memory_space<vmem>> -> memref<128x128xf32, #tpu.memory_space<vmem>>
      tpu.wait_dma2 semaphore(%run_scoped3A_266 : memref<!tpu.dma_semaphore, #tpu.memory_space<semaphore_mem>>) src(%dma_wait3A_284 : memref<128x128xf32, #tpu.memory_space<vmem>>) dst(%dma_wait3A_281 : memref<128x128xf32, #tpu.memory_space<hbm>>)
      tpu.yield
    }) : () -> ()
    %scan3A_81 = arith.constant 0 : i32
    %scan3A_82 = arith.constant 0 : i32
    %scan3A_83 = arith.constant 8 : i32
    %scan3A_84 = arith.addi %scan3A_82, %scan3A_83 : i32
    %scan3A_85 = arith.constant 1 : i32
    %scan3A_86 = scf.for %scan3A_266 = %scan3A_82 to %scan3A_84 step %scan3A_85 iter_args(%scan3A_267 = %scan3A_81) -> (i32)  : i32 {
      %add3A_268 = arith.constant 128 : i32
      %add3A_269 = arith.addi %mul3A_0, %add3A_268 : i32
      %mul3A_270 = arith.constant 16 : i32
      %mul3A_271 = arith.muli %scan3A_266, %mul3A_270 : i32
      %add3A_272 = arith.addi %add3A_269, %mul3A_271 : i32
      %iota3A = tpu.iota {dimensions = array<i32: 0>} : vector<16xi32>
      %add3A_273 = vector.broadcast %add3A_272 : i32 to vector<16xi32>
      %add3A_274 = arith.addi %add3A_273, %iota3A : vector<16xi32>
      %add3A_275 = arith.constant 632 : i32
      %add3A_276 = arith.addi %mul3A_0, %add3A_275 : i32
      %sub3A = arith.constant 1 : i32
      %sub3A_277 = arith.subi %add3A_276, %sub3A : i32
      %min3A = vector.broadcast %sub3A_277 : i32 to vector<16xi32>
      %min3A_278 = arith.minsi %add3A_274, %min3A : vector<16xi32>
      %mul3A_279 = arith.constant 16 : i32
      %mul3A_280 = arith.muli %scan3A_266, %mul3A_279 : i32
      %swap3A = arith.constant 0 : i32
      %swap3A_281 = arith.index_cast %swap3A : i32 to index
      %swap3A_282 = arith.index_cast %mul3A_280 : i32 to index
      %swap3A_283 = tpu.vector_load %arg10[%swap3A_281, %swap3A_282] {strides = array<i32>} : memref<1x128xi32, #tpu.memory_space<vmem>>, vector<1x16xi32>,
      %swap3A_284 = vector.shape_cast %swap3A_283 : vector<1x16xi32> to vector<16xi32>
      %swap3A_285 = vector.shape_cast %min3A_278 : vector<16xi32> to vector<1x16xi32>
      tpu.vector_store %arg10[%swap3A_281, %swap3A_282], %swap3A_285 {strides = array<i32>} : memref<1x128xi32, #tpu.memory_space<vmem>>, vector<1x16xi32>,
      %scan3A_286 = arith.constant 0 : i32
      scf.yield %scan3A_286 : i32
    }
    %scan3A_87 = arith.constant 8 : i32
    %run_scoped3A_88 = arith.constant 0 : i32
    "tpu.region"() ({
      %run_scoped3A_266 = tpu.sem_alloc : memref<!tpu.dma_semaphore, #tpu.memory_space<semaphore_mem>>
      %dma_start3A = arith.constant 0 : i32
      %dma_start3A_267 = tpu.memref_slice %arg10[%run_scoped3A_88, %dma_start3A] : memref<1x128xi32, #tpu.memory_space<vmem>> -> memref<1x128xi32, #tpu.memory_space<vmem>>
      %dma_start3A_268 = tpu.memref_squeeze %dma_start3A_267 : memref<1x128xi32, #tpu.memory_space<vmem>> -> memref<128xi32, #tpu.memory_space<vmem>>
      %dma_start3A_269 = arith.constant 0 : i32
      %dma_start3A_270 = arith.constant 0 : i32
      %dma_start3A_271 = tpu.memref_slice %arg11[%dma_start3A_269, %dma_start3A_270] : memref<10112x128xf32, #tpu.memory_space<vmem_shared>> -> memref<10112x128xf32, #tpu.memory_space<vmem_shared>>
      tpu.enqueue_indirect_dma source(%dma_start3A_271 : memref<10112x128xf32, #tpu.memory_space<vmem_shared>>) target(%arg9 : memref<128x128xf32, #tpu.memory_space<vmem>>) offsets(%dma_start3A_268 : memref<128xi32, #tpu.memory_space<vmem>>) semaphore(%run_scoped3A_266 : memref<!tpu.dma_semaphore, #tpu.memory_space<semaphore_mem>>)
      %dma_wait3A = arith.constant 0 : i32
      %dma_wait3A_272 = tpu.memref_slice %arg10[%run_scoped3A_88, %dma_wait3A] : memref<1x128xi32, #tpu.memory_space<vmem>> -> memref<1x128xi32, #tpu.memory_space<vmem>>
      %dma_wait3A_273 = tpu.memref_squeeze %dma_wait3A_272 : memref<1x128xi32, #tpu.memory_space<vmem>> -> memref<128xi32, #tpu.memory_space<vmem>>
      %dma_wait3A_274 = arith.constant 0 : i32
      %dma_wait3A_275 = arith.constant 0 : i32
      %dma_wait3A_276 = tpu.memref_slice %arg11[%dma_wait3A_274, %dma_wait3A_275] : memref<10112x128xf32, #tpu.memory_space<vmem_shared>> -> memref<10112x128xf32, #tpu.memory_space<vmem_shared>>
      tpu.wait_indirect_dma semaphore(%run_scoped3A_266 : memref<!tpu.dma_semaphore, #tpu.memory_space<semaphore_mem>>) src(%dma_wait3A_276 : memref<10112x128xf32, #tpu.memory_space<vmem_shared>>) dst(%arg9 : memref<128x128xf32, #tpu.memory_space<vmem>>)
      tpu.yield
    }) : () -> ()
    %mul3A_89 = arith.constant 10112 : i32
    %mul3A_90 = arith.muli %arg0, %mul3A_89 : i32
    %add3A_91 = arith.addi %mul3A_90, %mul3A_0 : i32
    %add3A_92 = arith.constant 128 : i32
    %add3A_93 = arith.addi %add3A_91, %add3A_92 : i32
    "tpu.region"() ({
      %run_scoped3A_266 = tpu.sem_alloc : memref<!tpu.dma_semaphore, #tpu.memory_space<semaphore_mem>>
      %dma_start3A = arith.constant 0 : i32
      %dma_start3A_267 = arith.constant 0 : i32
      %dma_start3A_268 = tpu.memref_slice %arg9[%dma_start3A, %dma_start3A_267] : memref<128x128xf32, #tpu.memory_space<vmem>> -> memref<128x128xf32, #tpu.memory_space<vmem>>
      %dma_start3A_269 = arith.constant 0 : i32
      %dma_start3A_270 = tpu.memref_slice %arg5[%add3A_93, %dma_start3A_269] : memref<20224x128xf32, #tpu.memory_space<hbm>> -> memref<128x128xf32, #tpu.memory_space<hbm>>
      %dma_start3A_271 = arith.constant 0 : i32
      %dma_start3A_272 = tpu.memref_slice %arg5[%add3A_93, %dma_start3A_271] : memref<20224x128xf32, #tpu.memory_space<hbm>> -> memref<128x128xf32, #tpu.memory_space<hbm>>
      %dma_start3A_273 = arith.constant 0 : i32
      %dma_start3A_274 = arith.constant 0 : i32
      %dma_start3A_275 = tpu.memref_slice %arg9[%dma_start3A_273, %dma_start3A_274] : memref<128x128xf32, #tpu.memory_space<vmem>> -> memref<128x128xf32, #tpu.memory_space<vmem>>
      tpu.enqueue_dma source(%dma_start3A_275 : memref<128x128xf32, #tpu.memory_space<vmem>>) target(%dma_start3A_272 : memref<128x128xf32, #tpu.memory_space<hbm>>) target_semaphore(%run_scoped3A_266 : memref<!tpu.dma_semaphore, #tpu.memory_space<semaphore_mem>>)
      %dma_wait3A = arith.constant 0 : i32
      %dma_wait3A_276 = arith.constant 0 : i32
      %dma_wait3A_277 = tpu.memref_slice %arg9[%dma_wait3A, %dma_wait3A_276] : memref<128x128xf32, #tpu.memory_space<vmem>> -> memref<128x128xf32, #tpu.memory_space<vmem>>
      %dma_wait3A_278 = arith.constant 0 : i32
      %dma_wait3A_279 = tpu.memref_slice %arg5[%add3A_93, %dma_wait3A_278] : memref<20224x128xf32, #tpu.memory_space<hbm>> -> memref<128x128xf32, #tpu.memory_space<hbm>>
      %dma_wait3A_280 = arith.constant 0 : i32
      %dma_wait3A_281 = tpu.memref_slice %arg5[%add3A_93, %dma_wait3A_280] : memref<20224x128xf32, #tpu.memory_space<hbm>> -> memref<128x128xf32, #tpu.memory_space<hbm>>
      %dma_wait3A_282 = arith.constant 0 : i32
      %dma_wait3A_283 = arith.constant 0 : i32
      %dma_wait3A_284 = tpu.memref_slice %arg9[%dma_wait3A_282, %dma_wait3A_283] : memref<128x128xf32, #tpu.memory_space<vmem>> -> memref<128x128xf32, #tpu.memory_space<vmem>>
      tpu.wait_dma2 semaphore(%run_scoped3A_266 : memref<!tpu.dma_semaphore, #tpu.memory_space<semaphore_mem>>) src(%dma_wait3A_284 : memref<128x128xf32, #tpu.memory_space<vmem>>) dst(%dma_wait3A_281 : memref<128x128xf32, #tpu.memory_space<hbm>>)
      tpu.yield
    }) : () -> ()
    %scan3A_94 = arith.constant 0 : i32
    %scan3A_95 = arith.constant 0 : i32
    %scan3A_96 = arith.constant 8 : i32
    %scan3A_97 = arith.addi %scan3A_95, %scan3A_96 : i32
    %scan3A_98 = arith.constant 1 : i32
    %scan3A_99 = scf.for %scan3A_266 = %scan3A_95 to %scan3A_97 step %scan3A_98 iter_args(%scan3A_267 = %scan3A_94) -> (i32)  : i32 {
      %add3A_268 = arith.constant 256 : i32
      %add3A_269 = arith.addi %mul3A_0, %add3A_268 : i32
      %mul3A_270 = arith.constant 16 : i32
      %mul3A_271 = arith.muli %scan3A_266, %mul3A_270 : i32
      %add3A_272 = arith.addi %add3A_269, %mul3A_271 : i32
      %iota3A = tpu.iota {dimensions = array<i32: 0>} : vector<16xi32>
      %add3A_273 = vector.broadcast %add3A_272 : i32 to vector<16xi32>
      %add3A_274 = arith.addi %add3A_273, %iota3A : vector<16xi32>
      %add3A_275 = arith.constant 632 : i32
      %add3A_276 = arith.addi %mul3A_0, %add3A_275 : i32
      %sub3A = arith.constant 1 : i32
      %sub3A_277 = arith.subi %add3A_276, %sub3A : i32
      %min3A = vector.broadcast %sub3A_277 : i32 to vector<16xi32>
      %min3A_278 = arith.minsi %add3A_274, %min3A : vector<16xi32>
      %mul3A_279 = arith.constant 16 : i32
      %mul3A_280 = arith.muli %scan3A_266, %mul3A_279 : i32
      %swap3A = arith.constant 0 : i32
      %swap3A_281 = arith.index_cast %swap3A : i32 to index
      %swap3A_282 = arith.index_cast %mul3A_280 : i32 to index
      %swap3A_283 = tpu.vector_load %arg10[%swap3A_281, %swap3A_282] {strides = array<i32>} : memref<1x128xi32, #tpu.memory_space<vmem>>, vector<1x16xi32>,
      %swap3A_284 = vector.shape_cast %swap3A_283 : vector<1x16xi32> to vector<16xi32>
      %swap3A_285 = vector.shape_cast %min3A_278 : vector<16xi32> to vector<1x16xi32>
      tpu.vector_store %arg10[%swap3A_281, %swap3A_282], %swap3A_285 {strides = array<i32>} : memref<1x128xi32, #tpu.memory_space<vmem>>, vector<1x16xi32>,
      %scan3A_286 = arith.constant 0 : i32
      scf.yield %scan3A_286 : i32
    }
    %scan3A_100 = arith.constant 8 : i32
    %run_scoped3A_101 = arith.constant 0 : i32
    "tpu.region"() ({
      %run_scoped3A_266 = tpu.sem_alloc : memref<!tpu.dma_semaphore, #tpu.memory_space<semaphore_mem>>
      %dma_start3A = arith.constant 0 : i32
      %dma_start3A_267 = tpu.memref_slice %arg10[%run_scoped3A_101, %dma_start3A] : memref<1x128xi32, #tpu.memory_space<vmem>> -> memref<1x128xi32, #tpu.memory_space<vmem>>
      %dma_start3A_268 = tpu.memref_squeeze %dma_start3A_267 : memref<1x128xi32, #tpu.memory_space<vmem>> -> memref<128xi32, #tpu.memory_space<vmem>>
      %dma_start3A_269 = arith.constant 0 : i32
      %dma_start3A_270 = arith.constant 0 : i32
      %dma_start3A_271 = tpu.memref_slice %arg11[%dma_start3A_269, %dma_start3A_270] : memref<10112x128xf32, #tpu.memory_space<vmem_shared>> -> memref<10112x128xf32, #tpu.memory_space<vmem_shared>>
      tpu.enqueue_indirect_dma source(%dma_start3A_271 : memref<10112x128xf32, #tpu.memory_space<vmem_shared>>) target(%arg9 : memref<128x128xf32, #tpu.memory_space<vmem>>) offsets(%dma_start3A_268 : memref<128xi32, #tpu.memory_space<vmem>>) semaphore(%run_scoped3A_266 : memref<!tpu.dma_semaphore, #tpu.memory_space<semaphore_mem>>)
      %dma_wait3A = arith.constant 0 : i32
      %dma_wait3A_272 = tpu.memref_slice %arg10[%run_scoped3A_101, %dma_wait3A] : memref<1x128xi32, #tpu.memory_space<vmem>> -> memref<1x128xi32, #tpu.memory_space<vmem>>
      %dma_wait3A_273 = tpu.memref_squeeze %dma_wait3A_272 : memref<1x128xi32, #tpu.memory_space<vmem>> -> memref<128xi32, #tpu.memory_space<vmem>>
      %dma_wait3A_274 = arith.constant 0 : i32
      %dma_wait3A_275 = arith.constant 0 : i32
      %dma_wait3A_276 = tpu.memref_slice %arg11[%dma_wait3A_274, %dma_wait3A_275] : memref<10112x128xf32, #tpu.memory_space<vmem_shared>> -> memref<10112x128xf32, #tpu.memory_space<vmem_shared>>
      tpu.wait_indirect_dma semaphore(%run_scoped3A_266 : memref<!tpu.dma_semaphore, #tpu.memory_space<semaphore_mem>>) src(%dma_wait3A_276 : memref<10112x128xf32, #tpu.memory_space<vmem_shared>>) dst(%arg9 : memref<128x128xf32, #tpu.memory_space<vmem>>)
      tpu.yield
    }) : () -> ()
    %mul3A_102 = arith.constant 10112 : i32
    %mul3A_103 = arith.muli %arg0, %mul3A_102 : i32
    %add3A_104 = arith.addi %mul3A_103, %mul3A_0 : i32
    %add3A_105 = arith.constant 256 : i32
    %add3A_106 = arith.addi %add3A_104, %add3A_105 : i32
    "tpu.region"() ({
      %run_scoped3A_266 = tpu.sem_alloc : memref<!tpu.dma_semaphore, #tpu.memory_space<semaphore_mem>>
      %dma_start3A = arith.constant 0 : i32
      %dma_start3A_267 = arith.constant 0 : i32
      %dma_start3A_268 = tpu.memref_slice %arg9[%dma_start3A, %dma_start3A_267] : memref<128x128xf32, #tpu.memory_space<vmem>> -> memref<128x128xf32, #tpu.memory_space<vmem>>
      %dma_start3A_269 = arith.constant 0 : i32
      %dma_start3A_270 = tpu.memref_slice %arg5[%add3A_106, %dma_start3A_269] : memref<20224x128xf32, #tpu.memory_space<hbm>> -> memref<128x128xf32, #tpu.memory_space<hbm>>
      %dma_start3A_271 = arith.constant 0 : i32
      %dma_start3A_272 = tpu.memref_slice %arg5[%add3A_106, %dma_start3A_271] : memref<20224x128xf32, #tpu.memory_space<hbm>> -> memref<128x128xf32, #tpu.memory_space<hbm>>
      %dma_start3A_273 = arith.constant 0 : i32
      %dma_start3A_274 = arith.constant 0 : i32
      %dma_start3A_275 = tpu.memref_slice %arg9[%dma_start3A_273, %dma_start3A_274] : memref<128x128xf32, #tpu.memory_space<vmem>> -> memref<128x128xf32, #tpu.memory_space<vmem>>
      tpu.enqueue_dma source(%dma_start3A_275 : memref<128x128xf32, #tpu.memory_space<vmem>>) target(%dma_start3A_272 : memref<128x128xf32, #tpu.memory_space<hbm>>) target_semaphore(%run_scoped3A_266 : memref<!tpu.dma_semaphore, #tpu.memory_space<semaphore_mem>>)
      %dma_wait3A = arith.constant 0 : i32
      %dma_wait3A_276 = arith.constant 0 : i32
      %dma_wait3A_277 = tpu.memref_slice %arg9[%dma_wait3A, %dma_wait3A_276] : memref<128x128xf32, #tpu.memory_space<vmem>> -> memref<128x128xf32, #tpu.memory_space<vmem>>
      %dma_wait3A_278 = arith.constant 0 : i32
      %dma_wait3A_279 = tpu.memref_slice %arg5[%add3A_106, %dma_wait3A_278] : memref<20224x128xf32, #tpu.memory_space<hbm>> -> memref<128x128xf32, #tpu.memory_space<hbm>>
      %dma_wait3A_280 = arith.constant 0 : i32
      %dma_wait3A_281 = tpu.memref_slice %arg5[%add3A_106, %dma_wait3A_280] : memref<20224x128xf32, #tpu.memory_space<hbm>> -> memref<128x128xf32, #tpu.memory_space<hbm>>
      %dma_wait3A_282 = arith.constant 0 : i32
      %dma_wait3A_283 = arith.constant 0 : i32
      %dma_wait3A_284 = tpu.memref_slice %arg9[%dma_wait3A_282, %dma_wait3A_283] : memref<128x128xf32, #tpu.memory_space<vmem>> -> memref<128x128xf32, #tpu.memory_space<vmem>>
      tpu.wait_dma2 semaphore(%run_scoped3A_266 : memref<!tpu.dma_semaphore, #tpu.memory_space<semaphore_mem>>) src(%dma_wait3A_284 : memref<128x128xf32, #tpu.memory_space<vmem>>) dst(%dma_wait3A_281 : memref<128x128xf32, #tpu.memory_space<hbm>>)
      tpu.yield
    }) : () -> ()
    %scan3A_107 = arith.constant 0 : i32
    %scan3A_108 = arith.constant 0 : i32
    %scan3A_109 = arith.constant 8 : i32
    %scan3A_110 = arith.addi %scan3A_108, %scan3A_109 : i32
    %scan3A_111 = arith.constant 1 : i32
    %scan3A_112 = scf.for %scan3A_266 = %scan3A_108 to %scan3A_110 step %scan3A_111 iter_args(%scan3A_267 = %scan3A_107) -> (i32)  : i32 {
      %add3A_268 = arith.constant 384 : i32
      %add3A_269 = arith.addi %mul3A_0, %add3A_268 : i32
      %mul3A_270 = arith.constant 16 : i32
      %mul3A_271 = arith.muli %scan3A_266, %mul3A_270 : i32
      %add3A_272 = arith.addi %add3A_269, %mul3A_271 : i32
      %iota3A = tpu.iota {dimensions = array<i32: 0>} : vector<16xi32>
      %add3A_273 = vector.broadcast %add3A_272 : i32 to vector<16xi32>
      %add3A_274 = arith.addi %add3A_273, %iota3A : vector<16xi32>
      %add3A_275 = arith.constant 632 : i32
      %add3A_276 = arith.addi %mul3A_0, %add3A_275 : i32
      %sub3A = arith.constant 1 : i32
      %sub3A_277 = arith.subi %add3A_276, %sub3A : i32
      %min3A = vector.broadcast %sub3A_277 : i32 to vector<16xi32>
      %min3A_278 = arith.minsi %add3A_274, %min3A : vector<16xi32>
      %mul3A_279 = arith.constant 16 : i32
      %mul3A_280 = arith.muli %scan3A_266, %mul3A_279 : i32
      %swap3A = arith.constant 0 : i32
      %swap3A_281 = arith.index_cast %swap3A : i32 to index
      %swap3A_282 = arith.index_cast %mul3A_280 : i32 to index
      %swap3A_283 = tpu.vector_load %arg10[%swap3A_281, %swap3A_282] {strides = array<i32>} : memref<1x128xi32, #tpu.memory_space<vmem>>, vector<1x16xi32>,
      %swap3A_284 = vector.shape_cast %swap3A_283 : vector<1x16xi32> to vector<16xi32>
      %swap3A_285 = vector.shape_cast %min3A_278 : vector<16xi32> to vector<1x16xi32>
      tpu.vector_store %arg10[%swap3A_281, %swap3A_282], %swap3A_285 {strides = array<i32>} : memref<1x128xi32, #tpu.memory_space<vmem>>, vector<1x16xi32>,
      %scan3A_286 = arith.constant 0 : i32
      scf.yield %scan3A_286 : i32
    }
    %scan3A_113 = arith.constant 8 : i32
    %run_scoped3A_114 = arith.constant 0 : i32
    "tpu.region"() ({
      %run_scoped3A_266 = tpu.sem_alloc : memref<!tpu.dma_semaphore, #tpu.memory_space<semaphore_mem>>
      %dma_start3A = arith.constant 0 : i32
      %dma_start3A_267 = tpu.memref_slice %arg10[%run_scoped3A_114, %dma_start3A] : memref<1x128xi32, #tpu.memory_space<vmem>> -> memref<1x128xi32, #tpu.memory_space<vmem>>
      %dma_start3A_268 = tpu.memref_squeeze %dma_start3A_267 : memref<1x128xi32, #tpu.memory_space<vmem>> -> memref<128xi32, #tpu.memory_space<vmem>>
      %dma_start3A_269 = arith.constant 0 : i32
      %dma_start3A_270 = arith.constant 0 : i32
      %dma_start3A_271 = tpu.memref_slice %arg11[%dma_start3A_269, %dma_start3A_270] : memref<10112x128xf32, #tpu.memory_space<vmem_shared>> -> memref<10112x128xf32, #tpu.memory_space<vmem_shared>>
      tpu.enqueue_indirect_dma source(%dma_start3A_271 : memref<10112x128xf32, #tpu.memory_space<vmem_shared>>) target(%arg9 : memref<128x128xf32, #tpu.memory_space<vmem>>) offsets(%dma_start3A_268 : memref<128xi32, #tpu.memory_space<vmem>>) semaphore(%run_scoped3A_266 : memref<!tpu.dma_semaphore, #tpu.memory_space<semaphore_mem>>)
      %dma_wait3A = arith.constant 0 : i32
      %dma_wait3A_272 = tpu.memref_slice %arg10[%run_scoped3A_114, %dma_wait3A] : memref<1x128xi32, #tpu.memory_space<vmem>> -> memref<1x128xi32, #tpu.memory_space<vmem>>
      %dma_wait3A_273 = tpu.memref_squeeze %dma_wait3A_272 : memref<1x128xi32, #tpu.memory_space<vmem>> -> memref<128xi32, #tpu.memory_space<vmem>>
      %dma_wait3A_274 = arith.constant 0 : i32
      %dma_wait3A_275 = arith.constant 0 : i32
      %dma_wait3A_276 = tpu.memref_slice %arg11[%dma_wait3A_274, %dma_wait3A_275] : memref<10112x128xf32, #tpu.memory_space<vmem_shared>> -> memref<10112x128xf32, #tpu.memory_space<vmem_shared>>
      tpu.wait_indirect_dma semaphore(%run_scoped3A_266 : memref<!tpu.dma_semaphore, #tpu.memory_space<semaphore_mem>>) src(%dma_wait3A_276 : memref<10112x128xf32, #tpu.memory_space<vmem_shared>>) dst(%arg9 : memref<128x128xf32, #tpu.memory_space<vmem>>)
      tpu.yield
    }) : () -> ()
    %mul3A_115 = arith.constant 10112 : i32
    %mul3A_116 = arith.muli %arg0, %mul3A_115 : i32
    %add3A_117 = arith.addi %mul3A_116, %mul3A_0 : i32
    %add3A_118 = arith.constant 384 : i32
    %add3A_119 = arith.addi %add3A_117, %add3A_118 : i32
    "tpu.region"() ({
      %run_scoped3A_266 = tpu.sem_alloc : memref<!tpu.dma_semaphore, #tpu.memory_space<semaphore_mem>>
      %dma_start3A = arith.constant 0 : i32
      %dma_start3A_267 = arith.constant 0 : i32
      %dma_start3A_268 = tpu.memref_slice %arg9[%dma_start3A, %dma_start3A_267] : memref<128x128xf32, #tpu.memory_space<vmem>> -> memref<128x128xf32, #tpu.memory_space<vmem>>
      %dma_start3A_269 = arith.constant 0 : i32
      %dma_start3A_270 = tpu.memref_slice %arg5[%add3A_119, %dma_start3A_269] : memref<20224x128xf32, #tpu.memory_space<hbm>> -> memref<128x128xf32, #tpu.memory_space<hbm>>
      %dma_start3A_271 = arith.constant 0 : i32
      %dma_start3A_272 = tpu.memref_slice %arg5[%add3A_119, %dma_start3A_271] : memref<20224x128xf32, #tpu.memory_space<hbm>> -> memref<128x128xf32, #tpu.memory_space<hbm>>
      %dma_start3A_273 = arith.constant 0 : i32
      %dma_start3A_274 = arith.constant 0 : i32
      %dma_start3A_275 = tpu.memref_slice %arg9[%dma_start3A_273, %dma_start3A_274] : memref<128x128xf32, #tpu.memory_space<vmem>> -> memref<128x128xf32, #tpu.memory_space<vmem>>
      tpu.enqueue_dma source(%dma_start3A_275 : memref<128x128xf32, #tpu.memory_space<vmem>>) target(%dma_start3A_272 : memref<128x128xf32, #tpu.memory_space<hbm>>) target_semaphore(%run_scoped3A_266 : memref<!tpu.dma_semaphore, #tpu.memory_space<semaphore_mem>>)
      %dma_wait3A = arith.constant 0 : i32
      %dma_wait3A_276 = arith.constant 0 : i32
      %dma_wait3A_277 = tpu.memref_slice %arg9[%dma_wait3A, %dma_wait3A_276] : memref<128x128xf32, #tpu.memory_space<vmem>> -> memref<128x128xf32, #tpu.memory_space<vmem>>
      %dma_wait3A_278 = arith.constant 0 : i32
      %dma_wait3A_279 = tpu.memref_slice %arg5[%add3A_119, %dma_wait3A_278] : memref<20224x128xf32, #tpu.memory_space<hbm>> -> memref<128x128xf32, #tpu.memory_space<hbm>>
      %dma_wait3A_280 = arith.constant 0 : i32
      %dma_wait3A_281 = tpu.memref_slice %arg5[%add3A_119, %dma_wait3A_280] : memref<20224x128xf32, #tpu.memory_space<hbm>> -> memref<128x128xf32, #tpu.memory_space<hbm>>
      %dma_wait3A_282 = arith.constant 0 : i32
      %dma_wait3A_283 = arith.constant 0 : i32
      %dma_wait3A_284 = tpu.memref_slice %arg9[%dma_wait3A_282, %dma_wait3A_283] : memref<128x128xf32, #tpu.memory_space<vmem>> -> memref<128x128xf32, #tpu.memory_space<vmem>>
      tpu.wait_dma2 semaphore(%run_scoped3A_266 : memref<!tpu.dma_semaphore, #tpu.memory_space<semaphore_mem>>) src(%dma_wait3A_284 : memref<128x128xf32, #tpu.memory_space<vmem>>) dst(%dma_wait3A_281 : memref<128x128xf32, #tpu.memory_space<hbm>>)
      tpu.yield
    }) : () -> ()
    %scan3A_120 = arith.constant 0 : i32
    %scan3A_121 = arith.constant 0 : i32
    %scan3A_122 = arith.constant 8 : i32
    %scan3A_123 = arith.addi %scan3A_121, %scan3A_122 : i32
    %scan3A_124 = arith.constant 1 : i32
    %scan3A_125 = scf.for %scan3A_266 = %scan3A_121 to %scan3A_123 step %scan3A_124 iter_args(%scan3A_267 = %scan3A_120) -> (i32)  : i32 {
      %add3A_268 = arith.constant 512 : i32
      %add3A_269 = arith.addi %mul3A_0, %add3A_268 : i32
      %mul3A_270 = arith.constant 16 : i32
      %mul3A_271 = arith.muli %scan3A_266, %mul3A_270 : i32
      %add3A_272 = arith.addi %add3A_269, %mul3A_271 : i32
      %iota3A = tpu.iota {dimensions = array<i32: 0>} : vector<16xi32>
      %add3A_273 = vector.broadcast %add3A_272 : i32 to vector<16xi32>
      %add3A_274 = arith.addi %add3A_273, %iota3A : vector<16xi32>
      %add3A_275 = arith.constant 632 : i32
      %add3A_276 = arith.addi %mul3A_0, %add3A_275 : i32
      %sub3A = arith.constant 1 : i32
      %sub3A_277 = arith.subi %add3A_276, %sub3A : i32
      %min3A = vector.broadcast %sub3A_277 : i32 to vector<16xi32>
      %min3A_278 = arith.minsi %add3A_274, %min3A : vector<16xi32>
      %mul3A_279 = arith.constant 16 : i32
      %mul3A_280 = arith.muli %scan3A_266, %mul3A_279 : i32
      %swap3A = arith.constant 0 : i32
      %swap3A_281 = arith.index_cast %swap3A : i32 to index
      %swap3A_282 = arith.index_cast %mul3A_280 : i32 to index
      %swap3A_283 = tpu.vector_load %arg10[%swap3A_281, %swap3A_282] {strides = array<i32>} : memref<1x128xi32, #tpu.memory_space<vmem>>, vector<1x16xi32>,
      %swap3A_284 = vector.shape_cast %swap3A_283 : vector<1x16xi32> to vector<16xi32>
      %swap3A_285 = vector.shape_cast %min3A_278 : vector<16xi32> to vector<1x16xi32>
      tpu.vector_store %arg10[%swap3A_281, %swap3A_282], %swap3A_285 {strides = array<i32>} : memref<1x128xi32, #tpu.memory_space<vmem>>, vector<1x16xi32>,
      %scan3A_286 = arith.constant 0 : i32
      scf.yield %scan3A_286 : i32
    }
    %scan3A_126 = arith.constant 8 : i32
    %run_scoped3A_127 = arith.constant 0 : i32
    "tpu.region"() ({
      %run_scoped3A_266 = tpu.sem_alloc : memref<!tpu.dma_semaphore, #tpu.memory_space<semaphore_mem>>
      %dma_start3A = arith.constant 0 : i32
      %dma_start3A_267 = tpu.memref_slice %arg10[%run_scoped3A_127, %dma_start3A] : memref<1x128xi32, #tpu.memory_space<vmem>> -> memref<1x128xi32, #tpu.memory_space<vmem>>
      %dma_start3A_268 = tpu.memref_squeeze %dma_start3A_267 : memref<1x128xi32, #tpu.memory_space<vmem>> -> memref<128xi32, #tpu.memory_space<vmem>>
      %dma_start3A_269 = arith.constant 0 : i32
      %dma_start3A_270 = arith.constant 0 : i32
      %dma_start3A_271 = tpu.memref_slice %arg11[%dma_start3A_269, %dma_start3A_270] : memref<10112x128xf32, #tpu.memory_space<vmem_shared>> -> memref<10112x128xf32, #tpu.memory_space<vmem_shared>>
      tpu.enqueue_indirect_dma source(%dma_start3A_271 : memref<10112x128xf32, #tpu.memory_space<vmem_shared>>) target(%arg9 : memref<128x128xf32, #tpu.memory_space<vmem>>) offsets(%dma_start3A_268 : memref<128xi32, #tpu.memory_space<vmem>>) semaphore(%run_scoped3A_266 : memref<!tpu.dma_semaphore, #tpu.memory_space<semaphore_mem>>)
      %dma_wait3A = arith.constant 0 : i32
      %dma_wait3A_272 = tpu.memref_slice %arg10[%run_scoped3A_127, %dma_wait3A] : memref<1x128xi32, #tpu.memory_space<vmem>> -> memref<1x128xi32, #tpu.memory_space<vmem>>
      %dma_wait3A_273 = tpu.memref_squeeze %dma_wait3A_272 : memref<1x128xi32, #tpu.memory_space<vmem>> -> memref<128xi32, #tpu.memory_space<vmem>>
      %dma_wait3A_274 = arith.constant 0 : i32
      %dma_wait3A_275 = arith.constant 0 : i32
      %dma_wait3A_276 = tpu.memref_slice %arg11[%dma_wait3A_274, %dma_wait3A_275] : memref<10112x128xf32, #tpu.memory_space<vmem_shared>> -> memref<10112x128xf32, #tpu.memory_space<vmem_shared>>
      tpu.wait_indirect_dma semaphore(%run_scoped3A_266 : memref<!tpu.dma_semaphore, #tpu.memory_space<semaphore_mem>>) src(%dma_wait3A_276 : memref<10112x128xf32, #tpu.memory_space<vmem_shared>>) dst(%arg9 : memref<128x128xf32, #tpu.memory_space<vmem>>)
      tpu.yield
    }) : () -> ()
    %mul3A_128 = arith.constant 10112 : i32
    %mul3A_129 = arith.muli %arg0, %mul3A_128 : i32
    %add3A_130 = arith.addi %mul3A_129, %mul3A_0 : i32
    %add3A_131 = arith.constant 512 : i32
    %add3A_132 = arith.addi %add3A_130, %add3A_131 : i32
    "tpu.region"() ({
      %run_scoped3A_266 = tpu.sem_alloc : memref<!tpu.dma_semaphore, #tpu.memory_space<semaphore_mem>>
      %dma_start3A = arith.constant 0 : i32
      %dma_start3A_267 = arith.constant 0 : i32
      %dma_start3A_268 = tpu.memref_slice %arg9[%dma_start3A, %dma_start3A_267] : memref<128x128xf32, #tpu.memory_space<vmem>> -> memref<120x128xf32, #tpu.memory_space<vmem>>
      %dma_start3A_269 = arith.constant 0 : i32
      %dma_start3A_270 = tpu.memref_slice %arg5[%add3A_132, %dma_start3A_269] : memref<20224x128xf32, #tpu.memory_space<hbm>> -> memref<120x128xf32, #tpu.memory_space<hbm>>
      %dma_start3A_271 = arith.constant 0 : i32
      %dma_start3A_272 = tpu.memref_slice %arg5[%add3A_132, %dma_start3A_271] : memref<20224x128xf32, #tpu.memory_space<hbm>> -> memref<120x128xf32, #tpu.memory_space<hbm>>
      %dma_start3A_273 = arith.constant 0 : i32
      %dma_start3A_274 = arith.constant 0 : i32
      %dma_start3A_275 = tpu.memref_slice %arg9[%dma_start3A_273, %dma_start3A_274] : memref<128x128xf32, #tpu.memory_space<vmem>> -> memref<120x128xf32, #tpu.memory_space<vmem>>
      tpu.enqueue_dma source(%dma_start3A_275 : memref<120x128xf32, #tpu.memory_space<vmem>>) target(%dma_start3A_272 : memref<120x128xf32, #tpu.memory_space<hbm>>) target_semaphore(%run_scoped3A_266 : memref<!tpu.dma_semaphore, #tpu.memory_space<semaphore_mem>>)
      %dma_wait3A = arith.constant 0 : i32
      %dma_wait3A_276 = arith.constant 0 : i32
      %dma_wait3A_277 = tpu.memref_slice %arg9[%dma_wait3A, %dma_wait3A_276] : memref<128x128xf32, #tpu.memory_space<vmem>> -> memref<120x128xf32, #tpu.memory_space<vmem>>
      %dma_wait3A_278 = arith.constant 0 : i32
      %dma_wait3A_279 = tpu.memref_slice %arg5[%add3A_132, %dma_wait3A_278] : memref<20224x128xf32, #tpu.memory_space<hbm>> -> memref<120x128xf32, #tpu.memory_space<hbm>>
      %dma_wait3A_280 = arith.constant 0 : i32
      %dma_wait3A_281 = tpu.memref_slice %arg5[%add3A_132, %dma_wait3A_280] : memref<20224x128xf32, #tpu.memory_space<hbm>> -> memref<120x128xf32, #tpu.memory_space<hbm>>
      %dma_wait3A_282 = arith.constant 0 : i32
      %dma_wait3A_283 = arith.constant 0 : i32
      %dma_wait3A_284 = tpu.memref_slice %arg9[%dma_wait3A_282, %dma_wait3A_283] : memref<128x128xf32, #tpu.memory_space<vmem>> -> memref<120x128xf32, #tpu.memory_space<vmem>>
      tpu.wait_dma2 semaphore(%run_scoped3A_266 : memref<!tpu.dma_semaphore, #tpu.memory_space<semaphore_mem>>) src(%dma_wait3A_284 : memref<120x128xf32, #tpu.memory_space<vmem>>) dst(%dma_wait3A_281 : memref<120x128xf32, #tpu.memory_space<hbm>>)
      tpu.yield
    }) : () -> ()
    %scan3A_133 = arith.constant 0 : i32
    %scan3A_134 = arith.constant 0 : i32
    %scan3A_135 = arith.constant 1024 : i32
    %scan3A_136 = arith.addi %scan3A_134, %scan3A_135 : i32
    %scan3A_137 = arith.constant 1 : i32
    %scan3A_138 = scf.for %scan3A_266 = %scan3A_134 to %scan3A_136 step %scan3A_137 iter_args(%scan3A_267 = %scan3A_133) -> (i32)  : i32 {
      %broadcast_in_dim3A = arith.constant 0.000000e+00 : f32
      %broadcast_in_dim3A_268 = vector.broadcast %broadcast_in_dim3A : f32 to vector<16xf32>
      %jit3A_269 = arith.constant 8 : i32
      %div3A = arith.divsi %scan3A_266, %jit3A_269 : i32
      %sign3A = arith.constant 0 : i32
      %sign3A_270 = arith.cmpi sgt, %scan3A_266, %sign3A : i32
      %sign3A_271 = arith.extui %sign3A_270 : i1 to i32
      %sign3A_272 = arith.constant 0 : i32
      %sign3A_273 = arith.cmpi slt, %scan3A_266, %sign3A_272 : i32
      %sign3A_274 = arith.extui %sign3A_273 : i1 to i32
      %sign3A_275 = arith.subi %sign3A_271, %sign3A_274 : i32
      %sign3A_276 = arith.constant 0 : i32
      %sign3A_277 = arith.cmpi sgt, %jit3A_269, %sign3A_276 : i32
      %sign3A_278 = arith.extui %sign3A_277 : i1 to i32
      %sign3A_279 = arith.constant 0 : i32
      %sign3A_280 = arith.cmpi slt, %jit3A_269, %sign3A_279 : i32
      %sign3A_281 = arith.extui %sign3A_280 : i1 to i32
      %sign3A_282 = arith.subi %sign3A_278, %sign3A_281 : i32
      %ne3A = arith.cmpi ne, %sign3A_275, %sign3A_282 : i32
      %rem3A = arith.remsi %scan3A_266, %jit3A_269 : i32
      %ne3A_283 = arith.constant 0 : i32
      %ne3A_284 = arith.cmpi ne, %rem3A, %ne3A_283 : i32
      %and3A = arith.andi %ne3A, %ne3A_284 : i1
      %sub3A = arith.constant 1 : i32
      %sub3A_285 = arith.subi %div3A, %sub3A : i32
      %select_n3A_286 = arith.select %and3A, %sub3A_285, %div3A : i32
      %jit3A_287 = arith.constant 8 : i32
      %eq3A_288 = arith.constant 0 : i32
      %eq3A_289 = arith.cmpi eq, %jit3A_287, %eq3A_288 : i32
      %jit3A_290 = arith.constant 1 : i32
      %select_n3A_291 = arith.select %eq3A_289, %jit3A_290, %jit3A_287 : i32
      %rem3A_292 = arith.remsi %scan3A_266, %select_n3A_291 : i32
      %ne3A_293 = arith.constant 0 : i32
      %ne3A_294 = arith.cmpi ne, %rem3A_292, %ne3A_293 : i32
      %lt3A = arith.constant 0 : i32
      %lt3A_295 = arith.cmpi slt, %rem3A_292, %lt3A : i32
      %lt3A_296 = arith.constant 0 : i32
      %lt3A_297 = arith.cmpi slt, %select_n3A_291, %lt3A_296 : i32
      %ne3A_298 = arith.xori %lt3A_295, %lt3A_297 : i1
      %and3A_299 = arith.andi %ne3A_298, %ne3A_294 : i1
      %add3A_300 = arith.addi %rem3A_292, %select_n3A_291 : i32
      %select_n3A_301 = arith.select %and3A_299, %add3A_300, %rem3A_292 : i32
      %mul3A_302 = arith.constant 16 : i32
      %mul3A_303 = arith.muli %select_n3A_301, %mul3A_302 : i32
      %swap3A = arith.index_cast %select_n3A_286 : i32 to index
      %swap3A_304 = arith.index_cast %mul3A_303 : i32 to index
      %swap3A_305 = tpu.vector_load %arg9[%swap3A, %swap3A_304] {strides = array<i32>} : memref<128x128xf32, #tpu.memory_space<vmem>>, vector<1x16xf32>,
      %swap3A_306 = vector.shape_cast %swap3A_305 : vector<1x16xf32> to vector<16xf32>
      %swap3A_307 = vector.shape_cast %broadcast_in_dim3A_268 : vector<16xf32> to vector<1x16xf32>
      tpu.vector_store %arg9[%swap3A, %swap3A_304], %swap3A_307 {strides = array<i32>} : memref<128x128xf32, #tpu.memory_space<vmem>>, vector<1x16xf32>,
      %scan3A_308 = arith.constant 0 : i32
      scf.yield %scan3A_308 : i32
    }
    %scan3A_139 = arith.constant 1024 : i32
    %scan3A_140 = arith.constant 0 : i32
    %scan3A_141 = arith.constant 0 : i32
    %scan3A_142 = arith.constant 8 : i32
    %scan3A_143 = arith.addi %scan3A_141, %scan3A_142 : i32
    %scan3A_144 = arith.constant 1 : i32
    %scan3A_145 = scf.for %scan3A_266 = %scan3A_141 to %scan3A_143 step %scan3A_144 iter_args(%scan3A_267 = %scan3A_140) -> (i32)  : i32 {
      %add3A_268 = arith.constant 0 : i32
      %add3A_269 = arith.addi %mul3A_0, %add3A_268 : i32
      %mul3A_270 = arith.constant 16 : i32
      %mul3A_271 = arith.muli %scan3A_266, %mul3A_270 : i32
      %add3A_272 = arith.addi %add3A_269, %mul3A_271 : i32
      %iota3A = tpu.iota {dimensions = array<i32: 0>} : vector<16xi32>
      %add3A_273 = vector.broadcast %add3A_272 : i32 to vector<16xi32>
      %add3A_274 = arith.addi %add3A_273, %iota3A : vector<16xi32>
      %add3A_275 = arith.constant 632 : i32
      %add3A_276 = arith.addi %mul3A_0, %add3A_275 : i32
      %sub3A = arith.constant 1 : i32
      %sub3A_277 = arith.subi %add3A_276, %sub3A : i32
      %min3A = vector.broadcast %sub3A_277 : i32 to vector<16xi32>
      %min3A_278 = arith.minsi %add3A_274, %min3A : vector<16xi32>
      %mul3A_279 = arith.constant 16 : i32
      %mul3A_280 = arith.muli %scan3A_266, %mul3A_279 : i32
      %swap3A = arith.constant 0 : i32
      %swap3A_281 = arith.index_cast %swap3A : i32 to index
      %swap3A_282 = arith.index_cast %mul3A_280 : i32 to index
      %swap3A_283 = tpu.vector_load %arg10[%swap3A_281, %swap3A_282] {strides = array<i32>} : memref<1x128xi32, #tpu.memory_space<vmem>>, vector<1x16xi32>,
      %swap3A_284 = vector.shape_cast %swap3A_283 : vector<1x16xi32> to vector<16xi32>
      %swap3A_285 = vector.shape_cast %min3A_278 : vector<16xi32> to vector<1x16xi32>
      tpu.vector_store %arg10[%swap3A_281, %swap3A_282], %swap3A_285 {strides = array<i32>} : memref<1x128xi32, #tpu.memory_space<vmem>>, vector<1x16xi32>,
      %scan3A_286 = arith.constant 0 : i32
      scf.yield %scan3A_286 : i32
    }
    %scan3A_146 = arith.constant 8 : i32
    %run_scoped3A_147 = arith.constant 0 : i32
    "tpu.region"() ({
      %run_scoped3A_266 = tpu.sem_alloc : memref<!tpu.dma_semaphore, #tpu.memory_space<semaphore_mem>>
      %dma_start3A = arith.constant 0 : i32
      %dma_start3A_267 = tpu.memref_slice %arg10[%run_scoped3A_147, %dma_start3A] : memref<1x128xi32, #tpu.memory_space<vmem>> -> memref<1x128xi32, #tpu.memory_space<vmem>>
      %dma_start3A_268 = tpu.memref_squeeze %dma_start3A_267 : memref<1x128xi32, #tpu.memory_space<vmem>> -> memref<128xi32, #tpu.memory_space<vmem>>
      %dma_start3A_269 = arith.constant 0 : i32
      %dma_start3A_270 = arith.constant 0 : i32
      %dma_start3A_271 = tpu.memref_slice %arg11[%dma_start3A_269, %dma_start3A_270] : memref<10112x128xf32, #tpu.memory_space<vmem_shared>> -> memref<10112x128xf32, #tpu.memory_space<vmem_shared>>
      tpu.enqueue_indirect_dma source(%arg9 : memref<128x128xf32, #tpu.memory_space<vmem>>) target(%dma_start3A_271 : memref<10112x128xf32, #tpu.memory_space<vmem_shared>>) offsets(%dma_start3A_268 : memref<128xi32, #tpu.memory_space<vmem>>) semaphore(%run_scoped3A_266 : memref<!tpu.dma_semaphore, #tpu.memory_space<semaphore_mem>>)
      %dma_wait3A = arith.constant 0 : i32
      %dma_wait3A_272 = tpu.memref_slice %arg10[%run_scoped3A_147, %dma_wait3A] : memref<1x128xi32, #tpu.memory_space<vmem>> -> memref<1x128xi32, #tpu.memory_space<vmem>>
      %dma_wait3A_273 = tpu.memref_squeeze %dma_wait3A_272 : memref<1x128xi32, #tpu.memory_space<vmem>> -> memref<128xi32, #tpu.memory_space<vmem>>
      %dma_wait3A_274 = arith.constant 0 : i32
      %dma_wait3A_275 = arith.constant 0 : i32
      %dma_wait3A_276 = tpu.memref_slice %arg11[%dma_wait3A_274, %dma_wait3A_275] : memref<10112x128xf32, #tpu.memory_space<vmem_shared>> -> memref<10112x128xf32, #tpu.memory_space<vmem_shared>>
      tpu.wait_indirect_dma semaphore(%run_scoped3A_266 : memref<!tpu.dma_semaphore, #tpu.memory_space<semaphore_mem>>) src(%arg9 : memref<128x128xf32, #tpu.memory_space<vmem>>) dst(%dma_wait3A_276 : memref<10112x128xf32, #tpu.memory_space<vmem_shared>>)
      tpu.yield
    }) : () -> ()
    %scan3A_148 = arith.constant 0 : i32
    %scan3A_149 = arith.constant 0 : i32
    %scan3A_150 = arith.constant 8 : i32
    %scan3A_151 = arith.addi %scan3A_149, %scan3A_150 : i32
    %scan3A_152 = arith.constant 1 : i32
    %scan3A_153 = scf.for %scan3A_266 = %scan3A_149 to %scan3A_151 step %scan3A_152 iter_args(%scan3A_267 = %scan3A_148) -> (i32)  : i32 {
      %add3A_268 = arith.constant 128 : i32
      %add3A_269 = arith.addi %mul3A_0, %add3A_268 : i32
      %mul3A_270 = arith.constant 16 : i32
      %mul3A_271 = arith.muli %scan3A_266, %mul3A_270 : i32
      %add3A_272 = arith.addi %add3A_269, %mul3A_271 : i32
      %iota3A = tpu.iota {dimensions = array<i32: 0>} : vector<16xi32>
      %add3A_273 = vector.broadcast %add3A_272 : i32 to vector<16xi32>
      %add3A_274 = arith.addi %add3A_273, %iota3A : vector<16xi32>
      %add3A_275 = arith.constant 632 : i32
      %add3A_276 = arith.addi %mul3A_0, %add3A_275 : i32
      %sub3A = arith.constant 1 : i32
      %sub3A_277 = arith.subi %add3A_276, %sub3A : i32
      %min3A = vector.broadcast %sub3A_277 : i32 to vector<16xi32>
      %min3A_278 = arith.minsi %add3A_274, %min3A : vector<16xi32>
      %mul3A_279 = arith.constant 16 : i32
      %mul3A_280 = arith.muli %scan3A_266, %mul3A_279 : i32
      %swap3A = arith.constant 0 : i32
      %swap3A_281 = arith.index_cast %swap3A : i32 to index
      %swap3A_282 = arith.index_cast %mul3A_280 : i32 to index
      %swap3A_283 = tpu.vector_load %arg10[%swap3A_281, %swap3A_282] {strides = array<i32>} : memref<1x128xi32, #tpu.memory_space<vmem>>, vector<1x16xi32>,
      %swap3A_284 = vector.shape_cast %swap3A_283 : vector<1x16xi32> to vector<16xi32>
      %swap3A_285 = vector.shape_cast %min3A_278 : vector<16xi32> to vector<1x16xi32>
      tpu.vector_store %arg10[%swap3A_281, %swap3A_282], %swap3A_285 {strides = array<i32>} : memref<1x128xi32, #tpu.memory_space<vmem>>, vector<1x16xi32>,
      %scan3A_286 = arith.constant 0 : i32
      scf.yield %scan3A_286 : i32
    }
    %scan3A_154 = arith.constant 8 : i32
    %run_scoped3A_155 = arith.constant 0 : i32
    "tpu.region"() ({
      %run_scoped3A_266 = tpu.sem_alloc : memref<!tpu.dma_semaphore, #tpu.memory_space<semaphore_mem>>
      %dma_start3A = arith.constant 0 : i32
      %dma_start3A_267 = tpu.memref_slice %arg10[%run_scoped3A_155, %dma_start3A] : memref<1x128xi32, #tpu.memory_space<vmem>> -> memref<1x128xi32, #tpu.memory_space<vmem>>
      %dma_start3A_268 = tpu.memref_squeeze %dma_start3A_267 : memref<1x128xi32, #tpu.memory_space<vmem>> -> memref<128xi32, #tpu.memory_space<vmem>>
      %dma_start3A_269 = arith.constant 0 : i32
      %dma_start3A_270 = arith.constant 0 : i32
      %dma_start3A_271 = tpu.memref_slice %arg11[%dma_start3A_269, %dma_start3A_270] : memref<10112x128xf32, #tpu.memory_space<vmem_shared>> -> memref<10112x128xf32, #tpu.memory_space<vmem_shared>>
      tpu.enqueue_indirect_dma source(%arg9 : memref<128x128xf32, #tpu.memory_space<vmem>>) target(%dma_start3A_271 : memref<10112x128xf32, #tpu.memory_space<vmem_shared>>) offsets(%dma_start3A_268 : memref<128xi32, #tpu.memory_space<vmem>>) semaphore(%run_scoped3A_266 : memref<!tpu.dma_semaphore, #tpu.memory_space<semaphore_mem>>)
      %dma_wait3A = arith.constant 0 : i32
      %dma_wait3A_272 = tpu.memref_slice %arg10[%run_scoped3A_155, %dma_wait3A] : memref<1x128xi32, #tpu.memory_space<vmem>> -> memref<1x128xi32, #tpu.memory_space<vmem>>
      %dma_wait3A_273 = tpu.memref_squeeze %dma_wait3A_272 : memref<1x128xi32, #tpu.memory_space<vmem>> -> memref<128xi32, #tpu.memory_space<vmem>>
      %dma_wait3A_274 = arith.constant 0 : i32
      %dma_wait3A_275 = arith.constant 0 : i32
      %dma_wait3A_276 = tpu.memref_slice %arg11[%dma_wait3A_274, %dma_wait3A_275] : memref<10112x128xf32, #tpu.memory_space<vmem_shared>> -> memref<10112x128xf32, #tpu.memory_space<vmem_shared>>
      tpu.wait_indirect_dma semaphore(%run_scoped3A_266 : memref<!tpu.dma_semaphore, #tpu.memory_space<semaphore_mem>>) src(%arg9 : memref<128x128xf32, #tpu.memory_space<vmem>>) dst(%dma_wait3A_276 : memref<10112x128xf32, #tpu.memory_space<vmem_shared>>)
      tpu.yield
    }) : () -> ()
    %scan3A_156 = arith.constant 0 : i32
    %scan3A_157 = arith.constant 0 : i32
    %scan3A_158 = arith.constant 8 : i32
    %scan3A_159 = arith.addi %scan3A_157, %scan3A_158 : i32
    %scan3A_160 = arith.constant 1 : i32
    %scan3A_161 = scf.for %scan3A_266 = %scan3A_157 to %scan3A_159 step %scan3A_160 iter_args(%scan3A_267 = %scan3A_156) -> (i32)  : i32 {
      %add3A_268 = arith.constant 256 : i32
      %add3A_269 = arith.addi %mul3A_0, %add3A_268 : i32
      %mul3A_270 = arith.constant 16 : i32
      %mul3A_271 = arith.muli %scan3A_266, %mul3A_270 : i32
      %add3A_272 = arith.addi %add3A_269, %mul3A_271 : i32
      %iota3A = tpu.iota {dimensions = array<i32: 0>} : vector<16xi32>
      %add3A_273 = vector.broadcast %add3A_272 : i32 to vector<16xi32>
      %add3A_274 = arith.addi %add3A_273, %iota3A : vector<16xi32>
      %add3A_275 = arith.constant 632 : i32
      %add3A_276 = arith.addi %mul3A_0, %add3A_275 : i32
      %sub3A = arith.constant 1 : i32
      %sub3A_277 = arith.subi %add3A_276, %sub3A : i32
      %min3A = vector.broadcast %sub3A_277 : i32 to vector<16xi32>
      %min3A_278 = arith.minsi %add3A_274, %min3A : vector<16xi32>
      %mul3A_279 = arith.constant 16 : i32
      %mul3A_280 = arith.muli %scan3A_266, %mul3A_279 : i32
      %swap3A = arith.constant 0 : i32
      %swap3A_281 = arith.index_cast %swap3A : i32 to index
      %swap3A_282 = arith.index_cast %mul3A_280 : i32 to index
      %swap3A_283 = tpu.vector_load %arg10[%swap3A_281, %swap3A_282] {strides = array<i32>} : memref<1x128xi32, #tpu.memory_space<vmem>>, vector<1x16xi32>,
      %swap3A_284 = vector.shape_cast %swap3A_283 : vector<1x16xi32> to vector<16xi32>
      %swap3A_285 = vector.shape_cast %min3A_278 : vector<16xi32> to vector<1x16xi32>
      tpu.vector_store %arg10[%swap3A_281, %swap3A_282], %swap3A_285 {strides = array<i32>} : memref<1x128xi32, #tpu.memory_space<vmem>>, vector<1x16xi32>,
      %scan3A_286 = arith.constant 0 : i32
      scf.yield %scan3A_286 : i32
    }
    %scan3A_162 = arith.constant 8 : i32
    %run_scoped3A_163 = arith.constant 0 : i32
    "tpu.region"() ({
      %run_scoped3A_266 = tpu.sem_alloc : memref<!tpu.dma_semaphore, #tpu.memory_space<semaphore_mem>>
      %dma_start3A = arith.constant 0 : i32
      %dma_start3A_267 = tpu.memref_slice %arg10[%run_scoped3A_163, %dma_start3A] : memref<1x128xi32, #tpu.memory_space<vmem>> -> memref<1x128xi32, #tpu.memory_space<vmem>>
      %dma_start3A_268 = tpu.memref_squeeze %dma_start3A_267 : memref<1x128xi32, #tpu.memory_space<vmem>> -> memref<128xi32, #tpu.memory_space<vmem>>
      %dma_start3A_269 = arith.constant 0 : i32
      %dma_start3A_270 = arith.constant 0 : i32
      %dma_start3A_271 = tpu.memref_slice %arg11[%dma_start3A_269, %dma_start3A_270] : memref<10112x128xf32, #tpu.memory_space<vmem_shared>> -> memref<10112x128xf32, #tpu.memory_space<vmem_shared>>
      tpu.enqueue_indirect_dma source(%arg9 : memref<128x128xf32, #tpu.memory_space<vmem>>) target(%dma_start3A_271 : memref<10112x128xf32, #tpu.memory_space<vmem_shared>>) offsets(%dma_start3A_268 : memref<128xi32, #tpu.memory_space<vmem>>) semaphore(%run_scoped3A_266 : memref<!tpu.dma_semaphore, #tpu.memory_space<semaphore_mem>>)
      %dma_wait3A = arith.constant 0 : i32
      %dma_wait3A_272 = tpu.memref_slice %arg10[%run_scoped3A_163, %dma_wait3A] : memref<1x128xi32, #tpu.memory_space<vmem>> -> memref<1x128xi32, #tpu.memory_space<vmem>>
      %dma_wait3A_273 = tpu.memref_squeeze %dma_wait3A_272 : memref<1x128xi32, #tpu.memory_space<vmem>> -> memref<128xi32, #tpu.memory_space<vmem>>
      %dma_wait3A_274 = arith.constant 0 : i32
      %dma_wait3A_275 = arith.constant 0 : i32
      %dma_wait3A_276 = tpu.memref_slice %arg11[%dma_wait3A_274, %dma_wait3A_275] : memref<10112x128xf32, #tpu.memory_space<vmem_shared>> -> memref<10112x128xf32, #tpu.memory_space<vmem_shared>>
      tpu.wait_indirect_dma semaphore(%run_scoped3A_266 : memref<!tpu.dma_semaphore, #tpu.memory_space<semaphore_mem>>) src(%arg9 : memref<128x128xf32, #tpu.memory_space<vmem>>) dst(%dma_wait3A_276 : memref<10112x128xf32, #tpu.memory_space<vmem_shared>>)
      tpu.yield
    }) : () -> ()
    %scan3A_164 = arith.constant 0 : i32
    %scan3A_165 = arith.constant 0 : i32
    %scan3A_166 = arith.constant 8 : i32
    %scan3A_167 = arith.addi %scan3A_165, %scan3A_166 : i32
    %scan3A_168 = arith.constant 1 : i32
    %scan3A_169 = scf.for %scan3A_266 = %scan3A_165 to %scan3A_167 step %scan3A_168 iter_args(%scan3A_267 = %scan3A_164) -> (i32)  : i32 {
      %add3A_268 = arith.constant 384 : i32
      %add3A_269 = arith.addi %mul3A_0, %add3A_268 : i32
      %mul3A_270 = arith.constant 16 : i32
      %mul3A_271 = arith.muli %scan3A_266, %mul3A_270 : i32
      %add3A_272 = arith.addi %add3A_269, %mul3A_271 : i32
      %iota3A = tpu.iota {dimensions = array<i32: 0>} : vector<16xi32>
      %add3A_273 = vector.broadcast %add3A_272 : i32 to vector<16xi32>
      %add3A_274 = arith.addi %add3A_273, %iota3A : vector<16xi32>
      %add3A_275 = arith.constant 632 : i32
      %add3A_276 = arith.addi %mul3A_0, %add3A_275 : i32
      %sub3A = arith.constant 1 : i32
      %sub3A_277 = arith.subi %add3A_276, %sub3A : i32
      %min3A = vector.broadcast %sub3A_277 : i32 to vector<16xi32>
      %min3A_278 = arith.minsi %add3A_274, %min3A : vector<16xi32>
      %mul3A_279 = arith.constant 16 : i32
      %mul3A_280 = arith.muli %scan3A_266, %mul3A_279 : i32
      %swap3A = arith.constant 0 : i32
      %swap3A_281 = arith.index_cast %swap3A : i32 to index
      %swap3A_282 = arith.index_cast %mul3A_280 : i32 to index
      %swap3A_283 = tpu.vector_load %arg10[%swap3A_281, %swap3A_282] {strides = array<i32>} : memref<1x128xi32, #tpu.memory_space<vmem>>, vector<1x16xi32>,
      %swap3A_284 = vector.shape_cast %swap3A_283 : vector<1x16xi32> to vector<16xi32>
      %swap3A_285 = vector.shape_cast %min3A_278 : vector<16xi32> to vector<1x16xi32>
      tpu.vector_store %arg10[%swap3A_281, %swap3A_282], %swap3A_285 {strides = array<i32>} : memref<1x128xi32, #tpu.memory_space<vmem>>, vector<1x16xi32>,
      %scan3A_286 = arith.constant 0 : i32
      scf.yield %scan3A_286 : i32
    }
    %scan3A_170 = arith.constant 8 : i32
    %run_scoped3A_171 = arith.constant 0 : i32
    "tpu.region"() ({
      %run_scoped3A_266 = tpu.sem_alloc : memref<!tpu.dma_semaphore, #tpu.memory_space<semaphore_mem>>
      %dma_start3A = arith.constant 0 : i32
      %dma_start3A_267 = tpu.memref_slice %arg10[%run_scoped3A_171, %dma_start3A] : memref<1x128xi32, #tpu.memory_space<vmem>> -> memref<1x128xi32, #tpu.memory_space<vmem>>
      %dma_start3A_268 = tpu.memref_squeeze %dma_start3A_267 : memref<1x128xi32, #tpu.memory_space<vmem>> -> memref<128xi32, #tpu.memory_space<vmem>>
      %dma_start3A_269 = arith.constant 0 : i32
      %dma_start3A_270 = arith.constant 0 : i32
      %dma_start3A_271 = tpu.memref_slice %arg11[%dma_start3A_269, %dma_start3A_270] : memref<10112x128xf32, #tpu.memory_space<vmem_shared>> -> memref<10112x128xf32, #tpu.memory_space<vmem_shared>>
      tpu.enqueue_indirect_dma source(%arg9 : memref<128x128xf32, #tpu.memory_space<vmem>>) target(%dma_start3A_271 : memref<10112x128xf32, #tpu.memory_space<vmem_shared>>) offsets(%dma_start3A_268 : memref<128xi32, #tpu.memory_space<vmem>>) semaphore(%run_scoped3A_266 : memref<!tpu.dma_semaphore, #tpu.memory_space<semaphore_mem>>)
      %dma_wait3A = arith.constant 0 : i32
      %dma_wait3A_272 = tpu.memref_slice %arg10[%run_scoped3A_171, %dma_wait3A] : memref<1x128xi32, #tpu.memory_space<vmem>> -> memref<1x128xi32, #tpu.memory_space<vmem>>
      %dma_wait3A_273 = tpu.memref_squeeze %dma_wait3A_272 : memref<1x128xi32, #tpu.memory_space<vmem>> -> memref<128xi32, #tpu.memory_space<vmem>>
      %dma_wait3A_274 = arith.constant 0 : i32
      %dma_wait3A_275 = arith.constant 0 : i32
      %dma_wait3A_276 = tpu.memref_slice %arg11[%dma_wait3A_274, %dma_wait3A_275] : memref<10112x128xf32, #tpu.memory_space<vmem_shared>> -> memref<10112x128xf32, #tpu.memory_space<vmem_shared>>
      tpu.wait_indirect_dma semaphore(%run_scoped3A_266 : memref<!tpu.dma_semaphore, #tpu.memory_space<semaphore_mem>>) src(%arg9 : memref<128x128xf32, #tpu.memory_space<vmem>>) dst(%dma_wait3A_276 : memref<10112x128xf32, #tpu.memory_space<vmem_shared>>)
      tpu.yield
    }) : () -> ()
    %scan3A_172 = arith.constant 0 : i32
    %scan3A_173 = arith.constant 0 : i32
    %scan3A_174 = arith.constant 8 : i32
    %scan3A_175 = arith.addi %scan3A_173, %scan3A_174 : i32
    %scan3A_176 = arith.constant 1 : i32
    %scan3A_177 = scf.for %scan3A_266 = %scan3A_173 to %scan3A_175 step %scan3A_176 iter_args(%scan3A_267 = %scan3A_172) -> (i32)  : i32 {
      %add3A_268 = arith.constant 512 : i32
      %add3A_269 = arith.addi %mul3A_0, %add3A_268 : i32
      %mul3A_270 = arith.constant 16 : i32
      %mul3A_271 = arith.muli %scan3A_266, %mul3A_270 : i32
      %add3A_272 = arith.addi %add3A_269, %mul3A_271 : i32
      %iota3A = tpu.iota {dimensions = array<i32: 0>} : vector<16xi32>
      %add3A_273 = vector.broadcast %add3A_272 : i32 to vector<16xi32>
      %add3A_274 = arith.addi %add3A_273, %iota3A : vector<16xi32>
      %add3A_275 = arith.constant 632 : i32
      %add3A_276 = arith.addi %mul3A_0, %add3A_275 : i32
      %sub3A = arith.constant 1 : i32
      %sub3A_277 = arith.subi %add3A_276, %sub3A : i32
      %min3A = vector.broadcast %sub3A_277 : i32 to vector<16xi32>
      %min3A_278 = arith.minsi %add3A_274, %min3A : vector<16xi32>
      %mul3A_279 = arith.constant 16 : i32
      %mul3A_280 = arith.muli %scan3A_266, %mul3A_279 : i32
      %swap3A = arith.constant 0 : i32
      %swap3A_281 = arith.index_cast %swap3A : i32 to index
      %swap3A_282 = arith.index_cast %mul3A_280 : i32 to index
      %swap3A_283 = tpu.vector_load %arg10[%swap3A_281, %swap3A_282] {strides = array<i32>} : memref<1x128xi32, #tpu.memory_space<vmem>>, vector<1x16xi32>,
      %swap3A_284 = vector.shape_cast %swap3A_283 : vector<1x16xi32> to vector<16xi32>
      %swap3A_285 = vector.shape_cast %min3A_278 : vector<16xi32> to vector<1x16xi32>
      tpu.vector_store %arg10[%swap3A_281, %swap3A_282], %swap3A_285 {strides = array<i32>} : memref<1x128xi32, #tpu.memory_space<vmem>>, vector<1x16xi32>,
      %scan3A_286 = arith.constant 0 : i32
      scf.yield %scan3A_286 : i32
    }
    %scan3A_178 = arith.constant 8 : i32
    %run_scoped3A_179 = arith.constant 0 : i32
    "tpu.region"() ({
      %run_scoped3A_266 = tpu.sem_alloc : memref<!tpu.dma_semaphore, #tpu.memory_space<semaphore_mem>>
      %dma_start3A = arith.constant 0 : i32
      %dma_start3A_267 = tpu.memref_slice %arg10[%run_scoped3A_179, %dma_start3A] : memref<1x128xi32, #tpu.memory_space<vmem>> -> memref<1x128xi32, #tpu.memory_space<vmem>>
      %dma_start3A_268 = tpu.memref_squeeze %dma_start3A_267 : memref<1x128xi32, #tpu.memory_space<vmem>> -> memref<128xi32, #tpu.memory_space<vmem>>
      %dma_start3A_269 = arith.constant 0 : i32
      %dma_start3A_270 = arith.constant 0 : i32
      %dma_start3A_271 = tpu.memref_slice %arg11[%dma_start3A_269, %dma_start3A_270] : memref<10112x128xf32, #tpu.memory_space<vmem_shared>> -> memref<10112x128xf32, #tpu.memory_space<vmem_shared>>
      tpu.enqueue_indirect_dma source(%arg9 : memref<128x128xf32, #tpu.memory_space<vmem>>) target(%dma_start3A_271 : memref<10112x128xf32, #tpu.memory_space<vmem_shared>>) offsets(%dma_start3A_268 : memref<128xi32, #tpu.memory_space<vmem>>) semaphore(%run_scoped3A_266 : memref<!tpu.dma_semaphore, #tpu.memory_space<semaphore_mem>>)
      %dma_wait3A = arith.constant 0 : i32
      %dma_wait3A_272 = tpu.memref_slice %arg10[%run_scoped3A_179, %dma_wait3A] : memref<1x128xi32, #tpu.memory_space<vmem>> -> memref<1x128xi32, #tpu.memory_space<vmem>>
      %dma_wait3A_273 = tpu.memref_squeeze %dma_wait3A_272 : memref<1x128xi32, #tpu.memory_space<vmem>> -> memref<128xi32, #tpu.memory_space<vmem>>
      %dma_wait3A_274 = arith.constant 0 : i32
      %dma_wait3A_275 = arith.constant 0 : i32
      %dma_wait3A_276 = tpu.memref_slice %arg11[%dma_wait3A_274, %dma_wait3A_275] : memref<10112x128xf32, #tpu.memory_space<vmem_shared>> -> memref<10112x128xf32, #tpu.memory_space<vmem_shared>>
      tpu.wait_indirect_dma semaphore(%run_scoped3A_266 : memref<!tpu.dma_semaphore, #tpu.memory_space<semaphore_mem>>) src(%arg9 : memref<128x128xf32, #tpu.memory_space<vmem>>) dst(%dma_wait3A_276 : memref<10112x128xf32, #tpu.memory_space<vmem_shared>>)
      tpu.yield
    }) : () -> ()
    %barrier3A_180 = arith.constant 0 : index
    tpu.barrier barrier_id(%barrier3A_180)
    %scan3A_181 = arith.constant 0 : i32
    %scan3A_182 = arith.constant 0 : i32
    %scan3A_183 = arith.constant 1024 : i32
    %scan3A_184 = arith.addi %scan3A_182, %scan3A_183 : i32
    %scan3A_185 = arith.constant 1 : i32
    %scan3A_186 = scf.for %scan3A_266 = %scan3A_182 to %scan3A_184 step %scan3A_185 iter_args(%scan3A_267 = %scan3A_181) -> (i32)  : i32 {
      %broadcast_in_dim3A = arith.constant 1.000000e+00 : f32
      %broadcast_in_dim3A_268 = vector.broadcast %broadcast_in_dim3A : f32 to vector<16xf32>
      %jit3A_269 = arith.constant 8 : i32
      %div3A = arith.divsi %scan3A_266, %jit3A_269 : i32
      %sign3A = arith.constant 0 : i32
      %sign3A_270 = arith.cmpi sgt, %scan3A_266, %sign3A : i32
      %sign3A_271 = arith.extui %sign3A_270 : i1 to i32
      %sign3A_272 = arith.constant 0 : i32
      %sign3A_273 = arith.cmpi slt, %scan3A_266, %sign3A_272 : i32
      %sign3A_274 = arith.extui %sign3A_273 : i1 to i32
      %sign3A_275 = arith.subi %sign3A_271, %sign3A_274 : i32
      %sign3A_276 = arith.constant 0 : i32
      %sign3A_277 = arith.cmpi sgt, %jit3A_269, %sign3A_276 : i32
      %sign3A_278 = arith.extui %sign3A_277 : i1 to i32
      %sign3A_279 = arith.constant 0 : i32
      %sign3A_280 = arith.cmpi slt, %jit3A_269, %sign3A_279 : i32
      %sign3A_281 = arith.extui %sign3A_280 : i1 to i32
      %sign3A_282 = arith.subi %sign3A_278, %sign3A_281 : i32
      %ne3A = arith.cmpi ne, %sign3A_275, %sign3A_282 : i32
      %rem3A = arith.remsi %scan3A_266, %jit3A_269 : i32
      %ne3A_283 = arith.constant 0 : i32
      %ne3A_284 = arith.cmpi ne, %rem3A, %ne3A_283 : i32
      %and3A = arith.andi %ne3A, %ne3A_284 : i1
      %sub3A = arith.constant 1 : i32
      %sub3A_285 = arith.subi %div3A, %sub3A : i32
      %select_n3A_286 = arith.select %and3A, %sub3A_285, %div3A : i32
      %jit3A_287 = arith.constant 8 : i32
      %eq3A_288 = arith.constant 0 : i32
      %eq3A_289 = arith.cmpi eq, %jit3A_287, %eq3A_288 : i32
      %jit3A_290 = arith.constant 1 : i32
      %select_n3A_291 = arith.select %eq3A_289, %jit3A_290, %jit3A_287 : i32
      %rem3A_292 = arith.remsi %scan3A_266, %select_n3A_291 : i32
      %ne3A_293 = arith.constant 0 : i32
      %ne3A_294 = arith.cmpi ne, %rem3A_292, %ne3A_293 : i32
      %lt3A = arith.constant 0 : i32
      %lt3A_295 = arith.cmpi slt, %rem3A_292, %lt3A : i32
      %lt3A_296 = arith.constant 0 : i32
      %lt3A_297 = arith.cmpi slt, %select_n3A_291, %lt3A_296 : i32
      %ne3A_298 = arith.xori %lt3A_295, %lt3A_297 : i1
      %and3A_299 = arith.andi %ne3A_298, %ne3A_294 : i1
      %add3A_300 = arith.addi %rem3A_292, %select_n3A_291 : i32
      %select_n3A_301 = arith.select %and3A_299, %add3A_300, %rem3A_292 : i32
      %mul3A_302 = arith.constant 16 : i32
      %mul3A_303 = arith.muli %select_n3A_301, %mul3A_302 : i32
      %swap3A = arith.index_cast %select_n3A_286 : i32 to index
      %swap3A_304 = arith.index_cast %mul3A_303 : i32 to index
      %swap3A_305 = tpu.vector_load %arg9[%swap3A, %swap3A_304] {strides = array<i32>} : memref<128x128xf32, #tpu.memory_space<vmem>>, vector<1x16xf32>,
      %swap3A_306 = vector.shape_cast %swap3A_305 : vector<1x16xf32> to vector<16xf32>
      %swap3A_307 = vector.shape_cast %broadcast_in_dim3A_268 : vector<16xf32> to vector<1x16xf32>
      tpu.vector_store %arg9[%swap3A, %swap3A_304], %swap3A_307 {strides = array<i32>} : memref<128x128xf32, #tpu.memory_space<vmem>>, vector<1x16xf32>,
      %scan3A_308 = arith.constant 0 : i32
      scf.yield %scan3A_308 : i32
    }
    %scan3A_187 = arith.constant 1024 : i32
    %while3A_188 = arith.constant 0 : i32
    %while3A_189 = arith.constant 0 : i32
    %while3A_190 = arith.subi %select_n3A, %while3A_188 : i32
    %while3A_191 = arith.addi %while3A_188, %while3A_190 : i32
    %while3A_192 = arith.constant 1 : i32
    %while3A_193 = arith.divsi %while3A_190, %while3A_192 : i32
    %while3A_194 = arith.muli %while3A_193, %while3A_192 : i32
    %while3A_195 = arith.addi %while3A_188, %while3A_194 : i32
    %while3A_196 = arith.constant 1 : i32
    %while3A_197 = scf.for %while3A_266 = %while3A_188 to %while3A_195 step %while3A_196 iter_args(%while3A_267 = %while3A_189) -> (i32)  : i32 {
      %add3A_268 = arith.addi %select_n3A_10, %while3A_266 : i32
      "tpu.region"() ({
        %run_scoped3A_271 = tpu.sem_alloc : memref<!tpu.dma_semaphore, #tpu.memory_space<semaphore_mem>>
        %dma_start3A = arith.constant 0 : i32
        %dma_start3A_272 = arith.constant 0 : i32
        %dma_start3A_273 = tpu.memref_slice %arg4[%add3A_268, %dma_start3A, %dma_start3A_272] : memref<2528x1x128xi32, #tpu.memory_space<hbm>> -> memref<1x1x128xi32, #tpu.memory_space<hbm>>
        %dma_start3A_274 = tpu.memref_squeeze %dma_start3A_273 : memref<1x1x128xi32, #tpu.memory_space<hbm>> -> memref<1x128xi32, #tpu.memory_space<hbm>>
        %dma_start3A_275 = arith.constant 0 : i32
        %dma_start3A_276 = arith.constant 0 : i32
        %dma_start3A_277 = tpu.memref_slice %arg4[%add3A_268, %dma_start3A_275, %dma_start3A_276] : memref<2528x1x128xi32, #tpu.memory_space<hbm>> -> memref<1x1x128xi32, #tpu.memory_space<hbm>>
        %dma_start3A_278 = tpu.memref_squeeze %dma_start3A_277 : memref<1x1x128xi32, #tpu.memory_space<hbm>> -> memref<1x128xi32, #tpu.memory_space<hbm>>
        tpu.enqueue_dma source(%dma_start3A_278 : memref<1x128xi32, #tpu.memory_space<hbm>>) target(%arg8 : memref<1x128xi32, #tpu.memory_space<vmem>>) target_semaphore(%run_scoped3A_271 : memref<!tpu.dma_semaphore, #tpu.memory_space<semaphore_mem>>)
        %dma_wait3A = arith.constant 0 : i32
        %dma_wait3A_279 = arith.constant 0 : i32
        %dma_wait3A_280 = tpu.memref_slice %arg4[%add3A_268, %dma_wait3A, %dma_wait3A_279] : memref<2528x1x128xi32, #tpu.memory_space<hbm>> -> memref<1x1x128xi32, #tpu.memory_space<hbm>>
        %dma_wait3A_281 = tpu.memref_squeeze %dma_wait3A_280 : memref<1x1x128xi32, #tpu.memory_space<hbm>> -> memref<1x128xi32, #tpu.memory_space<hbm>>
        %dma_wait3A_282 = arith.constant 0 : i32
        %dma_wait3A_283 = arith.constant 0 : i32
        %dma_wait3A_284 = tpu.memref_slice %arg4[%add3A_268, %dma_wait3A_282, %dma_wait3A_283] : memref<2528x1x128xi32, #tpu.memory_space<hbm>> -> memref<1x1x128xi32, #tpu.memory_space<hbm>>
        %dma_wait3A_285 = tpu.memref_squeeze %dma_wait3A_284 : memref<1x1x128xi32, #tpu.memory_space<hbm>> -> memref<1x128xi32, #tpu.memory_space<hbm>>
        tpu.wait_dma2 semaphore(%run_scoped3A_271 : memref<!tpu.dma_semaphore, #tpu.memory_space<semaphore_mem>>) src(%dma_wait3A_285 : memref<1x128xi32, #tpu.memory_space<hbm>>) dst(%arg8 : memref<1x128xi32, #tpu.memory_space<vmem>>)
        tpu.yield
      }) : () -> ()
      %run_scoped3A_269 = arith.constant 0 : i32
      "tpu.region"() ({
        %run_scoped3A_271 = tpu.sem_alloc : memref<!tpu.dma_semaphore, #tpu.memory_space<semaphore_mem>>
        %dma_start3A = arith.constant 0 : i32
        %dma_start3A_272 = tpu.memref_slice %arg8[%run_scoped3A_269, %dma_start3A] : memref<1x128xi32, #tpu.memory_space<vmem>> -> memref<1x128xi32, #tpu.memory_space<vmem>>
        %dma_start3A_273 = tpu.memref_squeeze %dma_start3A_272 : memref<1x128xi32, #tpu.memory_space<vmem>> -> memref<128xi32, #tpu.memory_space<vmem>>
        %dma_start3A_274 = arith.constant 0 : i32
        %dma_start3A_275 = arith.constant 0 : i32
        %dma_start3A_276 = tpu.memref_slice %arg11[%dma_start3A_274, %dma_start3A_275] : memref<10112x128xf32, #tpu.memory_space<vmem_shared>> -> memref<10112x128xf32, #tpu.memory_space<vmem_shared>>
        tpu.enqueue_indirect_dma source(%arg9 : memref<128x128xf32, #tpu.memory_space<vmem>>) target(%dma_start3A_276 : memref<10112x128xf32, #tpu.memory_space<vmem_shared>>) offsets(%dma_start3A_273 : memref<128xi32, #tpu.memory_space<vmem>>) semaphore(%run_scoped3A_271 : memref<!tpu.dma_semaphore, #tpu.memory_space<semaphore_mem>>) {add = true}
        %dma_wait3A = arith.constant 0 : i32
        %dma_wait3A_277 = tpu.memref_slice %arg8[%run_scoped3A_269, %dma_wait3A] : memref<1x128xi32, #tpu.memory_space<vmem>> -> memref<1x128xi32, #tpu.memory_space<vmem>>
        %dma_wait3A_278 = tpu.memref_squeeze %dma_wait3A_277 : memref<1x128xi32, #tpu.memory_space<vmem>> -> memref<128xi32, #tpu.memory_space<vmem>>
        %dma_wait3A_279 = arith.constant 0 : i32
        %dma_wait3A_280 = arith.constant 0 : i32
        %dma_wait3A_281 = tpu.memref_slice %arg11[%dma_wait3A_279, %dma_wait3A_280] : memref<10112x128xf32, #tpu.memory_space<vmem_shared>> -> memref<10112x128xf32, #tpu.memory_space<vmem_shared>>
        tpu.wait_indirect_dma semaphore(%run_scoped3A_271 : memref<!tpu.dma_semaphore, #tpu.memory_space<semaphore_mem>>) src(%arg9 : memref<128x128xf32, #tpu.memory_space<vmem>>) dst(%dma_wait3A_281 : memref<10112x128xf32, #tpu.memory_space<vmem_shared>>)
        tpu.yield
      }) : () -> ()
      %while3A_270 = arith.constant 0 : i32
      scf.yield %while3A_270 : i32
    }
    %while3A_198 = arith.constant 1 : i32
    %while3A_199 = scf.for %while3A_266 = %while3A_195 to %while3A_191 step %while3A_198 iter_args(%while3A_267 = %while3A_197) -> (i32)  : i32 {
      %add3A_268 = arith.addi %select_n3A_10, %while3A_266 : i32
      "tpu.region"() ({
        %run_scoped3A_271 = tpu.sem_alloc : memref<!tpu.dma_semaphore, #tpu.memory_space<semaphore_mem>>
        %dma_start3A = arith.constant 0 : i32
        %dma_start3A_272 = arith.constant 0 : i32
        %dma_start3A_273 = tpu.memref_slice %arg4[%add3A_268, %dma_start3A, %dma_start3A_272] : memref<2528x1x128xi32, #tpu.memory_space<hbm>> -> memref<1x1x128xi32, #tpu.memory_space<hbm>>
        %dma_start3A_274 = tpu.memref_squeeze %dma_start3A_273 : memref<1x1x128xi32, #tpu.memory_space<hbm>> -> memref<1x128xi32, #tpu.memory_space<hbm>>
        %dma_start3A_275 = arith.constant 0 : i32
        %dma_start3A_276 = arith.constant 0 : i32
        %dma_start3A_277 = tpu.memref_slice %arg4[%add3A_268, %dma_start3A_275, %dma_start3A_276] : memref<2528x1x128xi32, #tpu.memory_space<hbm>> -> memref<1x1x128xi32, #tpu.memory_space<hbm>>
        %dma_start3A_278 = tpu.memref_squeeze %dma_start3A_277 : memref<1x1x128xi32, #tpu.memory_space<hbm>> -> memref<1x128xi32, #tpu.memory_space<hbm>>
        tpu.enqueue_dma source(%dma_start3A_278 : memref<1x128xi32, #tpu.memory_space<hbm>>) target(%arg8 : memref<1x128xi32, #tpu.memory_space<vmem>>) target_semaphore(%run_scoped3A_271 : memref<!tpu.dma_semaphore, #tpu.memory_space<semaphore_mem>>)
        %dma_wait3A = arith.constant 0 : i32
        %dma_wait3A_279 = arith.constant 0 : i32
        %dma_wait3A_280 = tpu.memref_slice %arg4[%add3A_268, %dma_wait3A, %dma_wait3A_279] : memref<2528x1x128xi32, #tpu.memory_space<hbm>> -> memref<1x1x128xi32, #tpu.memory_space<hbm>>
        %dma_wait3A_281 = tpu.memref_squeeze %dma_wait3A_280 : memref<1x1x128xi32, #tpu.memory_space<hbm>> -> memref<1x128xi32, #tpu.memory_space<hbm>>
        %dma_wait3A_282 = arith.constant 0 : i32
        %dma_wait3A_283 = arith.constant 0 : i32
        %dma_wait3A_284 = tpu.memref_slice %arg4[%add3A_268, %dma_wait3A_282, %dma_wait3A_283] : memref<2528x1x128xi32, #tpu.memory_space<hbm>> -> memref<1x1x128xi32, #tpu.memory_space<hbm>>
        %dma_wait3A_285 = tpu.memref_squeeze %dma_wait3A_284 : memref<1x1x128xi32, #tpu.memory_space<hbm>> -> memref<1x128xi32, #tpu.memory_space<hbm>>
        tpu.wait_dma2 semaphore(%run_scoped3A_271 : memref<!tpu.dma_semaphore, #tpu.memory_space<semaphore_mem>>) src(%dma_wait3A_285 : memref<1x128xi32, #tpu.memory_space<hbm>>) dst(%arg8 : memref<1x128xi32, #tpu.memory_space<vmem>>)
        tpu.yield
      }) : () -> ()
      %run_scoped3A_269 = arith.constant 0 : i32
      "tpu.region"() ({
        %run_scoped3A_271 = tpu.sem_alloc : memref<!tpu.dma_semaphore, #tpu.memory_space<semaphore_mem>>
        %dma_start3A = arith.constant 0 : i32
        %dma_start3A_272 = tpu.memref_slice %arg8[%run_scoped3A_269, %dma_start3A] : memref<1x128xi32, #tpu.memory_space<vmem>> -> memref<1x128xi32, #tpu.memory_space<vmem>>
        %dma_start3A_273 = tpu.memref_squeeze %dma_start3A_272 : memref<1x128xi32, #tpu.memory_space<vmem>> -> memref<128xi32, #tpu.memory_space<vmem>>
        %dma_start3A_274 = arith.constant 0 : i32
        %dma_start3A_275 = arith.constant 0 : i32
        %dma_start3A_276 = tpu.memref_slice %arg11[%dma_start3A_274, %dma_start3A_275] : memref<10112x128xf32, #tpu.memory_space<vmem_shared>> -> memref<10112x128xf32, #tpu.memory_space<vmem_shared>>
        tpu.enqueue_indirect_dma source(%arg9 : memref<128x128xf32, #tpu.memory_space<vmem>>) target(%dma_start3A_276 : memref<10112x128xf32, #tpu.memory_space<vmem_shared>>) offsets(%dma_start3A_273 : memref<128xi32, #tpu.memory_space<vmem>>) semaphore(%run_scoped3A_271 : memref<!tpu.dma_semaphore, #tpu.memory_space<semaphore_mem>>) {add = true}
        %dma_wait3A = arith.constant 0 : i32
        %dma_wait3A_277 = tpu.memref_slice %arg8[%run_scoped3A_269, %dma_wait3A] : memref<1x128xi32, #tpu.memory_space<vmem>> -> memref<1x128xi32, #tpu.memory_space<vmem>>
        %dma_wait3A_278 = tpu.memref_squeeze %dma_wait3A_277 : memref<1x128xi32, #tpu.memory_space<vmem>> -> memref<128xi32, #tpu.memory_space<vmem>>
        %dma_wait3A_279 = arith.constant 0 : i32
        %dma_wait3A_280 = arith.constant 0 : i32
        %dma_wait3A_281 = tpu.memref_slice %arg11[%dma_wait3A_279, %dma_wait3A_280] : memref<10112x128xf32, #tpu.memory_space<vmem_shared>> -> memref<10112x128xf32, #tpu.memory_space<vmem_shared>>
        tpu.wait_indirect_dma semaphore(%run_scoped3A_271 : memref<!tpu.dma_semaphore, #tpu.memory_space<semaphore_mem>>) src(%arg9 : memref<128x128xf32, #tpu.memory_space<vmem>>) dst(%dma_wait3A_281 : memref<10112x128xf32, #tpu.memory_space<vmem_shared>>)
        tpu.yield
      }) : () -> ()
      %while3A_270 = arith.constant 0 : i32
      scf.yield %while3A_270 : i32
    }
    %barrier3A_200 = arith.constant 0 : index
    tpu.barrier barrier_id(%barrier3A_200)
    %scan3A_201 = arith.constant 0 : i32
    %scan3A_202 = arith.constant 0 : i32
    %scan3A_203 = arith.constant 8 : i32
    %scan3A_204 = arith.addi %scan3A_202, %scan3A_203 : i32
    %scan3A_205 = arith.constant 1 : i32
    %scan3A_206 = scf.for %scan3A_266 = %scan3A_202 to %scan3A_204 step %scan3A_205 iter_args(%scan3A_267 = %scan3A_201) -> (i32)  : i32 {
      %add3A_268 = arith.constant 0 : i32
      %add3A_269 = arith.addi %mul3A_0, %add3A_268 : i32
      %mul3A_270 = arith.constant 16 : i32
      %mul3A_271 = arith.muli %scan3A_266, %mul3A_270 : i32
      %add3A_272 = arith.addi %add3A_269, %mul3A_271 : i32
      %iota3A = tpu.iota {dimensions = array<i32: 0>} : vector<16xi32>
      %add3A_273 = vector.broadcast %add3A_272 : i32 to vector<16xi32>
      %add3A_274 = arith.addi %add3A_273, %iota3A : vector<16xi32>
      %add3A_275 = arith.constant 632 : i32
      %add3A_276 = arith.addi %mul3A_0, %add3A_275 : i32
      %sub3A = arith.constant 1 : i32
      %sub3A_277 = arith.subi %add3A_276, %sub3A : i32
      %min3A = vector.broadcast %sub3A_277 : i32 to vector<16xi32>
      %min3A_278 = arith.minsi %add3A_274, %min3A : vector<16xi32>
      %mul3A_279 = arith.constant 16 : i32
      %mul3A_280 = arith.muli %scan3A_266, %mul3A_279 : i32
      %swap3A = arith.constant 0 : i32
      %swap3A_281 = arith.index_cast %swap3A : i32 to index
      %swap3A_282 = arith.index_cast %mul3A_280 : i32 to index
      %swap3A_283 = tpu.vector_load %arg10[%swap3A_281, %swap3A_282] {strides = array<i32>} : memref<1x128xi32, #tpu.memory_space<vmem>>, vector<1x16xi32>,
      %swap3A_284 = vector.shape_cast %swap3A_283 : vector<1x16xi32> to vector<16xi32>
      %swap3A_285 = vector.shape_cast %min3A_278 : vector<16xi32> to vector<1x16xi32>
      tpu.vector_store %arg10[%swap3A_281, %swap3A_282], %swap3A_285 {strides = array<i32>} : memref<1x128xi32, #tpu.memory_space<vmem>>, vector<1x16xi32>,
      %scan3A_286 = arith.constant 0 : i32
      scf.yield %scan3A_286 : i32
    }
    %scan3A_207 = arith.constant 8 : i32
    %run_scoped3A_208 = arith.constant 0 : i32
    "tpu.region"() ({
      %run_scoped3A_266 = tpu.sem_alloc : memref<!tpu.dma_semaphore, #tpu.memory_space<semaphore_mem>>
      %dma_start3A = arith.constant 0 : i32
      %dma_start3A_267 = tpu.memref_slice %arg10[%run_scoped3A_208, %dma_start3A] : memref<1x128xi32, #tpu.memory_space<vmem>> -> memref<1x128xi32, #tpu.memory_space<vmem>>
      %dma_start3A_268 = tpu.memref_squeeze %dma_start3A_267 : memref<1x128xi32, #tpu.memory_space<vmem>> -> memref<128xi32, #tpu.memory_space<vmem>>
      %dma_start3A_269 = arith.constant 0 : i32
      %dma_start3A_270 = arith.constant 0 : i32
      %dma_start3A_271 = tpu.memref_slice %arg11[%dma_start3A_269, %dma_start3A_270] : memref<10112x128xf32, #tpu.memory_space<vmem_shared>> -> memref<10112x128xf32, #tpu.memory_space<vmem_shared>>
      tpu.enqueue_indirect_dma source(%dma_start3A_271 : memref<10112x128xf32, #tpu.memory_space<vmem_shared>>) target(%arg9 : memref<128x128xf32, #tpu.memory_space<vmem>>) offsets(%dma_start3A_268 : memref<128xi32, #tpu.memory_space<vmem>>) semaphore(%run_scoped3A_266 : memref<!tpu.dma_semaphore, #tpu.memory_space<semaphore_mem>>)
      %dma_wait3A = arith.constant 0 : i32
      %dma_wait3A_272 = tpu.memref_slice %arg10[%run_scoped3A_208, %dma_wait3A] : memref<1x128xi32, #tpu.memory_space<vmem>> -> memref<1x128xi32, #tpu.memory_space<vmem>>
      %dma_wait3A_273 = tpu.memref_squeeze %dma_wait3A_272 : memref<1x128xi32, #tpu.memory_space<vmem>> -> memref<128xi32, #tpu.memory_space<vmem>>
      %dma_wait3A_274 = arith.constant 0 : i32
      %dma_wait3A_275 = arith.constant 0 : i32
      %dma_wait3A_276 = tpu.memref_slice %arg11[%dma_wait3A_274, %dma_wait3A_275] : memref<10112x128xf32, #tpu.memory_space<vmem_shared>> -> memref<10112x128xf32, #tpu.memory_space<vmem_shared>>
      tpu.wait_indirect_dma semaphore(%run_scoped3A_266 : memref<!tpu.dma_semaphore, #tpu.memory_space<semaphore_mem>>) src(%dma_wait3A_276 : memref<10112x128xf32, #tpu.memory_space<vmem_shared>>) dst(%arg9 : memref<128x128xf32, #tpu.memory_space<vmem>>)
      tpu.yield
    }) : () -> ()
    %mul3A_209 = arith.constant 10112 : i32
    %mul3A_210 = arith.muli %arg0, %mul3A_209 : i32
    %add3A_211 = arith.addi %mul3A_210, %mul3A_0 : i32
    %add3A_212 = arith.constant 0 : i32
    %add3A_213 = arith.addi %add3A_211, %add3A_212 : i32
    "tpu.region"() ({
      %run_scoped3A_266 = tpu.sem_alloc : memref<!tpu.dma_semaphore, #tpu.memory_space<semaphore_mem>>
      %dma_start3A = arith.constant 0 : i32
      %dma_start3A_267 = arith.constant 0 : i32
      %dma_start3A_268 = tpu.memref_slice %arg9[%dma_start3A, %dma_start3A_267] : memref<128x128xf32, #tpu.memory_space<vmem>> -> memref<128x128xf32, #tpu.memory_space<vmem>>
      %dma_start3A_269 = arith.constant 0 : i32
      %dma_start3A_270 = tpu.memref_slice %arg6[%add3A_213, %dma_start3A_269] : memref<20224x128xf32, #tpu.memory_space<hbm>> -> memref<128x128xf32, #tpu.memory_space<hbm>>
      %dma_start3A_271 = arith.constant 0 : i32
      %dma_start3A_272 = tpu.memref_slice %arg6[%add3A_213, %dma_start3A_271] : memref<20224x128xf32, #tpu.memory_space<hbm>> -> memref<128x128xf32, #tpu.memory_space<hbm>>
      %dma_start3A_273 = arith.constant 0 : i32
      %dma_start3A_274 = arith.constant 0 : i32
      %dma_start3A_275 = tpu.memref_slice %arg9[%dma_start3A_273, %dma_start3A_274] : memref<128x128xf32, #tpu.memory_space<vmem>> -> memref<128x128xf32, #tpu.memory_space<vmem>>
      tpu.enqueue_dma source(%dma_start3A_275 : memref<128x128xf32, #tpu.memory_space<vmem>>) target(%dma_start3A_272 : memref<128x128xf32, #tpu.memory_space<hbm>>) target_semaphore(%run_scoped3A_266 : memref<!tpu.dma_semaphore, #tpu.memory_space<semaphore_mem>>)
      %dma_wait3A = arith.constant 0 : i32
      %dma_wait3A_276 = arith.constant 0 : i32
      %dma_wait3A_277 = tpu.memref_slice %arg9[%dma_wait3A, %dma_wait3A_276] : memref<128x128xf32, #tpu.memory_space<vmem>> -> memref<128x128xf32, #tpu.memory_space<vmem>>
      %dma_wait3A_278 = arith.constant 0 : i32
      %dma_wait3A_279 = tpu.memref_slice %arg6[%add3A_213, %dma_wait3A_278] : memref<20224x128xf32, #tpu.memory_space<hbm>> -> memref<128x128xf32, #tpu.memory_space<hbm>>
      %dma_wait3A_280 = arith.constant 0 : i32
      %dma_wait3A_281 = tpu.memref_slice %arg6[%add3A_213, %dma_wait3A_280] : memref<20224x128xf32, #tpu.memory_space<hbm>> -> memref<128x128xf32, #tpu.memory_space<hbm>>
      %dma_wait3A_282 = arith.constant 0 : i32
      %dma_wait3A_283 = arith.constant 0 : i32
      %dma_wait3A_284 = tpu.memref_slice %arg9[%dma_wait3A_282, %dma_wait3A_283] : memref<128x128xf32, #tpu.memory_space<vmem>> -> memref<128x128xf32, #tpu.memory_space<vmem>>
      tpu.wait_dma2 semaphore(%run_scoped3A_266 : memref<!tpu.dma_semaphore, #tpu.memory_space<semaphore_mem>>) src(%dma_wait3A_284 : memref<128x128xf32, #tpu.memory_space<vmem>>) dst(%dma_wait3A_281 : memref<128x128xf32, #tpu.memory_space<hbm>>)
      tpu.yield
    }) : () -> ()
    %scan3A_214 = arith.constant 0 : i32
    %scan3A_215 = arith.constant 0 : i32
    %scan3A_216 = arith.constant 8 : i32
    %scan3A_217 = arith.addi %scan3A_215, %scan3A_216 : i32
    %scan3A_218 = arith.constant 1 : i32
    %scan3A_219 = scf.for %scan3A_266 = %scan3A_215 to %scan3A_217 step %scan3A_218 iter_args(%scan3A_267 = %scan3A_214) -> (i32)  : i32 {
      %add3A_268 = arith.constant 128 : i32
      %add3A_269 = arith.addi %mul3A_0, %add3A_268 : i32
      %mul3A_270 = arith.constant 16 : i32
      %mul3A_271 = arith.muli %scan3A_266, %mul3A_270 : i32
      %add3A_272 = arith.addi %add3A_269, %mul3A_271 : i32
      %iota3A = tpu.iota {dimensions = array<i32: 0>} : vector<16xi32>
      %add3A_273 = vector.broadcast %add3A_272 : i32 to vector<16xi32>
      %add3A_274 = arith.addi %add3A_273, %iota3A : vector<16xi32>
      %add3A_275 = arith.constant 632 : i32
      %add3A_276 = arith.addi %mul3A_0, %add3A_275 : i32
      %sub3A = arith.constant 1 : i32
      %sub3A_277 = arith.subi %add3A_276, %sub3A : i32
      %min3A = vector.broadcast %sub3A_277 : i32 to vector<16xi32>
      %min3A_278 = arith.minsi %add3A_274, %min3A : vector<16xi32>
      %mul3A_279 = arith.constant 16 : i32
      %mul3A_280 = arith.muli %scan3A_266, %mul3A_279 : i32
      %swap3A = arith.constant 0 : i32
      %swap3A_281 = arith.index_cast %swap3A : i32 to index
      %swap3A_282 = arith.index_cast %mul3A_280 : i32 to index
      %swap3A_283 = tpu.vector_load %arg10[%swap3A_281, %swap3A_282] {strides = array<i32>} : memref<1x128xi32, #tpu.memory_space<vmem>>, vector<1x16xi32>,
      %swap3A_284 = vector.shape_cast %swap3A_283 : vector<1x16xi32> to vector<16xi32>
      %swap3A_285 = vector.shape_cast %min3A_278 : vector<16xi32> to vector<1x16xi32>
      tpu.vector_store %arg10[%swap3A_281, %swap3A_282], %swap3A_285 {strides = array<i32>} : memref<1x128xi32, #tpu.memory_space<vmem>>, vector<1x16xi32>,
      %scan3A_286 = arith.constant 0 : i32
      scf.yield %scan3A_286 : i32
    }
    %scan3A_220 = arith.constant 8 : i32
    %run_scoped3A_221 = arith.constant 0 : i32
    "tpu.region"() ({
      %run_scoped3A_266 = tpu.sem_alloc : memref<!tpu.dma_semaphore, #tpu.memory_space<semaphore_mem>>
      %dma_start3A = arith.constant 0 : i32
      %dma_start3A_267 = tpu.memref_slice %arg10[%run_scoped3A_221, %dma_start3A] : memref<1x128xi32, #tpu.memory_space<vmem>> -> memref<1x128xi32, #tpu.memory_space<vmem>>
      %dma_start3A_268 = tpu.memref_squeeze %dma_start3A_267 : memref<1x128xi32, #tpu.memory_space<vmem>> -> memref<128xi32, #tpu.memory_space<vmem>>
      %dma_start3A_269 = arith.constant 0 : i32
      %dma_start3A_270 = arith.constant 0 : i32
      %dma_start3A_271 = tpu.memref_slice %arg11[%dma_start3A_269, %dma_start3A_270] : memref<10112x128xf32, #tpu.memory_space<vmem_shared>> -> memref<10112x128xf32, #tpu.memory_space<vmem_shared>>
      tpu.enqueue_indirect_dma source(%dma_start3A_271 : memref<10112x128xf32, #tpu.memory_space<vmem_shared>>) target(%arg9 : memref<128x128xf32, #tpu.memory_space<vmem>>) offsets(%dma_start3A_268 : memref<128xi32, #tpu.memory_space<vmem>>) semaphore(%run_scoped3A_266 : memref<!tpu.dma_semaphore, #tpu.memory_space<semaphore_mem>>)
      %dma_wait3A = arith.constant 0 : i32
      %dma_wait3A_272 = tpu.memref_slice %arg10[%run_scoped3A_221, %dma_wait3A] : memref<1x128xi32, #tpu.memory_space<vmem>> -> memref<1x128xi32, #tpu.memory_space<vmem>>
      %dma_wait3A_273 = tpu.memref_squeeze %dma_wait3A_272 : memref<1x128xi32, #tpu.memory_space<vmem>> -> memref<128xi32, #tpu.memory_space<vmem>>
      %dma_wait3A_274 = arith.constant 0 : i32
      %dma_wait3A_275 = arith.constant 0 : i32
      %dma_wait3A_276 = tpu.memref_slice %arg11[%dma_wait3A_274, %dma_wait3A_275] : memref<10112x128xf32, #tpu.memory_space<vmem_shared>> -> memref<10112x128xf32, #tpu.memory_space<vmem_shared>>
      tpu.wait_indirect_dma semaphore(%run_scoped3A_266 : memref<!tpu.dma_semaphore, #tpu.memory_space<semaphore_mem>>) src(%dma_wait3A_276 : memref<10112x128xf32, #tpu.memory_space<vmem_shared>>) dst(%arg9 : memref<128x128xf32, #tpu.memory_space<vmem>>)
      tpu.yield
    }) : () -> ()
    %mul3A_222 = arith.constant 10112 : i32
    %mul3A_223 = arith.muli %arg0, %mul3A_222 : i32
    %add3A_224 = arith.addi %mul3A_223, %mul3A_0 : i32
    %add3A_225 = arith.constant 128 : i32
    %add3A_226 = arith.addi %add3A_224, %add3A_225 : i32
    "tpu.region"() ({
      %run_scoped3A_266 = tpu.sem_alloc : memref<!tpu.dma_semaphore, #tpu.memory_space<semaphore_mem>>
      %dma_start3A = arith.constant 0 : i32
      %dma_start3A_267 = arith.constant 0 : i32
      %dma_start3A_268 = tpu.memref_slice %arg9[%dma_start3A, %dma_start3A_267] : memref<128x128xf32, #tpu.memory_space<vmem>> -> memref<128x128xf32, #tpu.memory_space<vmem>>
      %dma_start3A_269 = arith.constant 0 : i32
      %dma_start3A_270 = tpu.memref_slice %arg6[%add3A_226, %dma_start3A_269] : memref<20224x128xf32, #tpu.memory_space<hbm>> -> memref<128x128xf32, #tpu.memory_space<hbm>>
      %dma_start3A_271 = arith.constant 0 : i32
      %dma_start3A_272 = tpu.memref_slice %arg6[%add3A_226, %dma_start3A_271] : memref<20224x128xf32, #tpu.memory_space<hbm>> -> memref<128x128xf32, #tpu.memory_space<hbm>>
      %dma_start3A_273 = arith.constant 0 : i32
      %dma_start3A_274 = arith.constant 0 : i32
      %dma_start3A_275 = tpu.memref_slice %arg9[%dma_start3A_273, %dma_start3A_274] : memref<128x128xf32, #tpu.memory_space<vmem>> -> memref<128x128xf32, #tpu.memory_space<vmem>>
      tpu.enqueue_dma source(%dma_start3A_275 : memref<128x128xf32, #tpu.memory_space<vmem>>) target(%dma_start3A_272 : memref<128x128xf32, #tpu.memory_space<hbm>>) target_semaphore(%run_scoped3A_266 : memref<!tpu.dma_semaphore, #tpu.memory_space<semaphore_mem>>)
      %dma_wait3A = arith.constant 0 : i32
      %dma_wait3A_276 = arith.constant 0 : i32
      %dma_wait3A_277 = tpu.memref_slice %arg9[%dma_wait3A, %dma_wait3A_276] : memref<128x128xf32, #tpu.memory_space<vmem>> -> memref<128x128xf32, #tpu.memory_space<vmem>>
      %dma_wait3A_278 = arith.constant 0 : i32
      %dma_wait3A_279 = tpu.memref_slice %arg6[%add3A_226, %dma_wait3A_278] : memref<20224x128xf32, #tpu.memory_space<hbm>> -> memref<128x128xf32, #tpu.memory_space<hbm>>
      %dma_wait3A_280 = arith.constant 0 : i32
      %dma_wait3A_281 = tpu.memref_slice %arg6[%add3A_226, %dma_wait3A_280] : memref<20224x128xf32, #tpu.memory_space<hbm>> -> memref<128x128xf32, #tpu.memory_space<hbm>>
      %dma_wait3A_282 = arith.constant 0 : i32
      %dma_wait3A_283 = arith.constant 0 : i32
      %dma_wait3A_284 = tpu.memref_slice %arg9[%dma_wait3A_282, %dma_wait3A_283] : memref<128x128xf32, #tpu.memory_space<vmem>> -> memref<128x128xf32, #tpu.memory_space<vmem>>
      tpu.wait_dma2 semaphore(%run_scoped3A_266 : memref<!tpu.dma_semaphore, #tpu.memory_space<semaphore_mem>>) src(%dma_wait3A_284 : memref<128x128xf32, #tpu.memory_space<vmem>>) dst(%dma_wait3A_281 : memref<128x128xf32, #tpu.memory_space<hbm>>)
      tpu.yield
    }) : () -> ()
    %scan3A_227 = arith.constant 0 : i32
    %scan3A_228 = arith.constant 0 : i32
    %scan3A_229 = arith.constant 8 : i32
    %scan3A_230 = arith.addi %scan3A_228, %scan3A_229 : i32
    %scan3A_231 = arith.constant 1 : i32
    %scan3A_232 = scf.for %scan3A_266 = %scan3A_228 to %scan3A_230 step %scan3A_231 iter_args(%scan3A_267 = %scan3A_227) -> (i32)  : i32 {
      %add3A_268 = arith.constant 256 : i32
      %add3A_269 = arith.addi %mul3A_0, %add3A_268 : i32
      %mul3A_270 = arith.constant 16 : i32
      %mul3A_271 = arith.muli %scan3A_266, %mul3A_270 : i32
      %add3A_272 = arith.addi %add3A_269, %mul3A_271 : i32
      %iota3A = tpu.iota {dimensions = array<i32: 0>} : vector<16xi32>
      %add3A_273 = vector.broadcast %add3A_272 : i32 to vector<16xi32>
      %add3A_274 = arith.addi %add3A_273, %iota3A : vector<16xi32>
      %add3A_275 = arith.constant 632 : i32
      %add3A_276 = arith.addi %mul3A_0, %add3A_275 : i32
      %sub3A = arith.constant 1 : i32
      %sub3A_277 = arith.subi %add3A_276, %sub3A : i32
      %min3A = vector.broadcast %sub3A_277 : i32 to vector<16xi32>
      %min3A_278 = arith.minsi %add3A_274, %min3A : vector<16xi32>
      %mul3A_279 = arith.constant 16 : i32
      %mul3A_280 = arith.muli %scan3A_266, %mul3A_279 : i32
      %swap3A = arith.constant 0 : i32
      %swap3A_281 = arith.index_cast %swap3A : i32 to index
      %swap3A_282 = arith.index_cast %mul3A_280 : i32 to index
      %swap3A_283 = tpu.vector_load %arg10[%swap3A_281, %swap3A_282] {strides = array<i32>} : memref<1x128xi32, #tpu.memory_space<vmem>>, vector<1x16xi32>,
      %swap3A_284 = vector.shape_cast %swap3A_283 : vector<1x16xi32> to vector<16xi32>
      %swap3A_285 = vector.shape_cast %min3A_278 : vector<16xi32> to vector<1x16xi32>
      tpu.vector_store %arg10[%swap3A_281, %swap3A_282], %swap3A_285 {strides = array<i32>} : memref<1x128xi32, #tpu.memory_space<vmem>>, vector<1x16xi32>,
      %scan3A_286 = arith.constant 0 : i32
      scf.yield %scan3A_286 : i32
    }
    %scan3A_233 = arith.constant 8 : i32
    %run_scoped3A_234 = arith.constant 0 : i32
    "tpu.region"() ({
      %run_scoped3A_266 = tpu.sem_alloc : memref<!tpu.dma_semaphore, #tpu.memory_space<semaphore_mem>>
      %dma_start3A = arith.constant 0 : i32
      %dma_start3A_267 = tpu.memref_slice %arg10[%run_scoped3A_234, %dma_start3A] : memref<1x128xi32, #tpu.memory_space<vmem>> -> memref<1x128xi32, #tpu.memory_space<vmem>>
      %dma_start3A_268 = tpu.memref_squeeze %dma_start3A_267 : memref<1x128xi32, #tpu.memory_space<vmem>> -> memref<128xi32, #tpu.memory_space<vmem>>
      %dma_start3A_269 = arith.constant 0 : i32
      %dma_start3A_270 = arith.constant 0 : i32
      %dma_start3A_271 = tpu.memref_slice %arg11[%dma_start3A_269, %dma_start3A_270] : memref<10112x128xf32, #tpu.memory_space<vmem_shared>> -> memref<10112x128xf32, #tpu.memory_space<vmem_shared>>
      tpu.enqueue_indirect_dma source(%dma_start3A_271 : memref<10112x128xf32, #tpu.memory_space<vmem_shared>>) target(%arg9 : memref<128x128xf32, #tpu.memory_space<vmem>>) offsets(%dma_start3A_268 : memref<128xi32, #tpu.memory_space<vmem>>) semaphore(%run_scoped3A_266 : memref<!tpu.dma_semaphore, #tpu.memory_space<semaphore_mem>>)
      %dma_wait3A = arith.constant 0 : i32
      %dma_wait3A_272 = tpu.memref_slice %arg10[%run_scoped3A_234, %dma_wait3A] : memref<1x128xi32, #tpu.memory_space<vmem>> -> memref<1x128xi32, #tpu.memory_space<vmem>>
      %dma_wait3A_273 = tpu.memref_squeeze %dma_wait3A_272 : memref<1x128xi32, #tpu.memory_space<vmem>> -> memref<128xi32, #tpu.memory_space<vmem>>
      %dma_wait3A_274 = arith.constant 0 : i32
      %dma_wait3A_275 = arith.constant 0 : i32
      %dma_wait3A_276 = tpu.memref_slice %arg11[%dma_wait3A_274, %dma_wait3A_275] : memref<10112x128xf32, #tpu.memory_space<vmem_shared>> -> memref<10112x128xf32, #tpu.memory_space<vmem_shared>>
      tpu.wait_indirect_dma semaphore(%run_scoped3A_266 : memref<!tpu.dma_semaphore, #tpu.memory_space<semaphore_mem>>) src(%dma_wait3A_276 : memref<10112x128xf32, #tpu.memory_space<vmem_shared>>) dst(%arg9 : memref<128x128xf32, #tpu.memory_space<vmem>>)
      tpu.yield
    }) : () -> ()
    %mul3A_235 = arith.constant 10112 : i32
    %mul3A_236 = arith.muli %arg0, %mul3A_235 : i32
    %add3A_237 = arith.addi %mul3A_236, %mul3A_0 : i32
    %add3A_238 = arith.constant 256 : i32
    %add3A_239 = arith.addi %add3A_237, %add3A_238 : i32
    "tpu.region"() ({
      %run_scoped3A_266 = tpu.sem_alloc : memref<!tpu.dma_semaphore, #tpu.memory_space<semaphore_mem>>
      %dma_start3A = arith.constant 0 : i32
      %dma_start3A_267 = arith.constant 0 : i32
      %dma_start3A_268 = tpu.memref_slice %arg9[%dma_start3A, %dma_start3A_267] : memref<128x128xf32, #tpu.memory_space<vmem>> -> memref<128x128xf32, #tpu.memory_space<vmem>>
      %dma_start3A_269 = arith.constant 0 : i32
      %dma_start3A_270 = tpu.memref_slice %arg6[%add3A_239, %dma_start3A_269] : memref<20224x128xf32, #tpu.memory_space<hbm>> -> memref<128x128xf32, #tpu.memory_space<hbm>>
      %dma_start3A_271 = arith.constant 0 : i32
      %dma_start3A_272 = tpu.memref_slice %arg6[%add3A_239, %dma_start3A_271] : memref<20224x128xf32, #tpu.memory_space<hbm>> -> memref<128x128xf32, #tpu.memory_space<hbm>>
      %dma_start3A_273 = arith.constant 0 : i32
      %dma_start3A_274 = arith.constant 0 : i32
      %dma_start3A_275 = tpu.memref_slice %arg9[%dma_start3A_273, %dma_start3A_274] : memref<128x128xf32, #tpu.memory_space<vmem>> -> memref<128x128xf32, #tpu.memory_space<vmem>>
      tpu.enqueue_dma source(%dma_start3A_275 : memref<128x128xf32, #tpu.memory_space<vmem>>) target(%dma_start3A_272 : memref<128x128xf32, #tpu.memory_space<hbm>>) target_semaphore(%run_scoped3A_266 : memref<!tpu.dma_semaphore, #tpu.memory_space<semaphore_mem>>)
      %dma_wait3A = arith.constant 0 : i32
      %dma_wait3A_276 = arith.constant 0 : i32
      %dma_wait3A_277 = tpu.memref_slice %arg9[%dma_wait3A, %dma_wait3A_276] : memref<128x128xf32, #tpu.memory_space<vmem>> -> memref<128x128xf32, #tpu.memory_space<vmem>>
      %dma_wait3A_278 = arith.constant 0 : i32
      %dma_wait3A_279 = tpu.memref_slice %arg6[%add3A_239, %dma_wait3A_278] : memref<20224x128xf32, #tpu.memory_space<hbm>> -> memref<128x128xf32, #tpu.memory_space<hbm>>
      %dma_wait3A_280 = arith.constant 0 : i32
      %dma_wait3A_281 = tpu.memref_slice %arg6[%add3A_239, %dma_wait3A_280] : memref<20224x128xf32, #tpu.memory_space<hbm>> -> memref<128x128xf32, #tpu.memory_space<hbm>>
      %dma_wait3A_282 = arith.constant 0 : i32
      %dma_wait3A_283 = arith.constant 0 : i32
      %dma_wait3A_284 = tpu.memref_slice %arg9[%dma_wait3A_282, %dma_wait3A_283] : memref<128x128xf32, #tpu.memory_space<vmem>> -> memref<128x128xf32, #tpu.memory_space<vmem>>
      tpu.wait_dma2 semaphore(%run_scoped3A_266 : memref<!tpu.dma_semaphore, #tpu.memory_space<semaphore_mem>>) src(%dma_wait3A_284 : memref<128x128xf32, #tpu.memory_space<vmem>>) dst(%dma_wait3A_281 : memref<128x128xf32, #tpu.memory_space<hbm>>)
      tpu.yield
    }) : () -> ()
    %scan3A_240 = arith.constant 0 : i32
    %scan3A_241 = arith.constant 0 : i32
    %scan3A_242 = arith.constant 8 : i32
    %scan3A_243 = arith.addi %scan3A_241, %scan3A_242 : i32
    %scan3A_244 = arith.constant 1 : i32
    %scan3A_245 = scf.for %scan3A_266 = %scan3A_241 to %scan3A_243 step %scan3A_244 iter_args(%scan3A_267 = %scan3A_240) -> (i32)  : i32 {
      %add3A_268 = arith.constant 384 : i32
      %add3A_269 = arith.addi %mul3A_0, %add3A_268 : i32
      %mul3A_270 = arith.constant 16 : i32
      %mul3A_271 = arith.muli %scan3A_266, %mul3A_270 : i32
      %add3A_272 = arith.addi %add3A_269, %mul3A_271 : i32
      %iota3A = tpu.iota {dimensions = array<i32: 0>} : vector<16xi32>
      %add3A_273 = vector.broadcast %add3A_272 : i32 to vector<16xi32>
      %add3A_274 = arith.addi %add3A_273, %iota3A : vector<16xi32>
      %add3A_275 = arith.constant 632 : i32
      %add3A_276 = arith.addi %mul3A_0, %add3A_275 : i32
      %sub3A = arith.constant 1 : i32
      %sub3A_277 = arith.subi %add3A_276, %sub3A : i32
      %min3A = vector.broadcast %sub3A_277 : i32 to vector<16xi32>
      %min3A_278 = arith.minsi %add3A_274, %min3A : vector<16xi32>
      %mul3A_279 = arith.constant 16 : i32
      %mul3A_280 = arith.muli %scan3A_266, %mul3A_279 : i32
      %swap3A = arith.constant 0 : i32
      %swap3A_281 = arith.index_cast %swap3A : i32 to index
      %swap3A_282 = arith.index_cast %mul3A_280 : i32 to index
      %swap3A_283 = tpu.vector_load %arg10[%swap3A_281, %swap3A_282] {strides = array<i32>} : memref<1x128xi32, #tpu.memory_space<vmem>>, vector<1x16xi32>,
      %swap3A_284 = vector.shape_cast %swap3A_283 : vector<1x16xi32> to vector<16xi32>
      %swap3A_285 = vector.shape_cast %min3A_278 : vector<16xi32> to vector<1x16xi32>
      tpu.vector_store %arg10[%swap3A_281, %swap3A_282], %swap3A_285 {strides = array<i32>} : memref<1x128xi32, #tpu.memory_space<vmem>>, vector<1x16xi32>,
      %scan3A_286 = arith.constant 0 : i32
      scf.yield %scan3A_286 : i32
    }
    %scan3A_246 = arith.constant 8 : i32
    %run_scoped3A_247 = arith.constant 0 : i32
    "tpu.region"() ({
      %run_scoped3A_266 = tpu.sem_alloc : memref<!tpu.dma_semaphore, #tpu.memory_space<semaphore_mem>>
      %dma_start3A = arith.constant 0 : i32
      %dma_start3A_267 = tpu.memref_slice %arg10[%run_scoped3A_247, %dma_start3A] : memref<1x128xi32, #tpu.memory_space<vmem>> -> memref<1x128xi32, #tpu.memory_space<vmem>>
      %dma_start3A_268 = tpu.memref_squeeze %dma_start3A_267 : memref<1x128xi32, #tpu.memory_space<vmem>> -> memref<128xi32, #tpu.memory_space<vmem>>
      %dma_start3A_269 = arith.constant 0 : i32
      %dma_start3A_270 = arith.constant 0 : i32
      %dma_start3A_271 = tpu.memref_slice %arg11[%dma_start3A_269, %dma_start3A_270] : memref<10112x128xf32, #tpu.memory_space<vmem_shared>> -> memref<10112x128xf32, #tpu.memory_space<vmem_shared>>
      tpu.enqueue_indirect_dma source(%dma_start3A_271 : memref<10112x128xf32, #tpu.memory_space<vmem_shared>>) target(%arg9 : memref<128x128xf32, #tpu.memory_space<vmem>>) offsets(%dma_start3A_268 : memref<128xi32, #tpu.memory_space<vmem>>) semaphore(%run_scoped3A_266 : memref<!tpu.dma_semaphore, #tpu.memory_space<semaphore_mem>>)
      %dma_wait3A = arith.constant 0 : i32
      %dma_wait3A_272 = tpu.memref_slice %arg10[%run_scoped3A_247, %dma_wait3A] : memref<1x128xi32, #tpu.memory_space<vmem>> -> memref<1x128xi32, #tpu.memory_space<vmem>>
      %dma_wait3A_273 = tpu.memref_squeeze %dma_wait3A_272 : memref<1x128xi32, #tpu.memory_space<vmem>> -> memref<128xi32, #tpu.memory_space<vmem>>
      %dma_wait3A_274 = arith.constant 0 : i32
      %dma_wait3A_275 = arith.constant 0 : i32
      %dma_wait3A_276 = tpu.memref_slice %arg11[%dma_wait3A_274, %dma_wait3A_275] : memref<10112x128xf32, #tpu.memory_space<vmem_shared>> -> memref<10112x128xf32, #tpu.memory_space<vmem_shared>>
      tpu.wait_indirect_dma semaphore(%run_scoped3A_266 : memref<!tpu.dma_semaphore, #tpu.memory_space<semaphore_mem>>) src(%dma_wait3A_276 : memref<10112x128xf32, #tpu.memory_space<vmem_shared>>) dst(%arg9 : memref<128x128xf32, #tpu.memory_space<vmem>>)
      tpu.yield
    }) : () -> ()
    %mul3A_248 = arith.constant 10112 : i32
    %mul3A_249 = arith.muli %arg0, %mul3A_248 : i32
    %add3A_250 = arith.addi %mul3A_249, %mul3A_0 : i32
    %add3A_251 = arith.constant 384 : i32
    %add3A_252 = arith.addi %add3A_250, %add3A_251 : i32
    "tpu.region"() ({
      %run_scoped3A_266 = tpu.sem_alloc : memref<!tpu.dma_semaphore, #tpu.memory_space<semaphore_mem>>
      %dma_start3A = arith.constant 0 : i32
      %dma_start3A_267 = arith.constant 0 : i32
      %dma_start3A_268 = tpu.memref_slice %arg9[%dma_start3A, %dma_start3A_267] : memref<128x128xf32, #tpu.memory_space<vmem>> -> memref<128x128xf32, #tpu.memory_space<vmem>>
      %dma_start3A_269 = arith.constant 0 : i32
      %dma_start3A_270 = tpu.memref_slice %arg6[%add3A_252, %dma_start3A_269] : memref<20224x128xf32, #tpu.memory_space<hbm>> -> memref<128x128xf32, #tpu.memory_space<hbm>>
      %dma_start3A_271 = arith.constant 0 : i32
      %dma_start3A_272 = tpu.memref_slice %arg6[%add3A_252, %dma_start3A_271] : memref<20224x128xf32, #tpu.memory_space<hbm>> -> memref<128x128xf32, #tpu.memory_space<hbm>>
      %dma_start3A_273 = arith.constant 0 : i32
      %dma_start3A_274 = arith.constant 0 : i32
      %dma_start3A_275 = tpu.memref_slice %arg9[%dma_start3A_273, %dma_start3A_274] : memref<128x128xf32, #tpu.memory_space<vmem>> -> memref<128x128xf32, #tpu.memory_space<vmem>>
      tpu.enqueue_dma source(%dma_start3A_275 : memref<128x128xf32, #tpu.memory_space<vmem>>) target(%dma_start3A_272 : memref<128x128xf32, #tpu.memory_space<hbm>>) target_semaphore(%run_scoped3A_266 : memref<!tpu.dma_semaphore, #tpu.memory_space<semaphore_mem>>)
      %dma_wait3A = arith.constant 0 : i32
      %dma_wait3A_276 = arith.constant 0 : i32
      %dma_wait3A_277 = tpu.memref_slice %arg9[%dma_wait3A, %dma_wait3A_276] : memref<128x128xf32, #tpu.memory_space<vmem>> -> memref<128x128xf32, #tpu.memory_space<vmem>>
      %dma_wait3A_278 = arith.constant 0 : i32
      %dma_wait3A_279 = tpu.memref_slice %arg6[%add3A_252, %dma_wait3A_278] : memref<20224x128xf32, #tpu.memory_space<hbm>> -> memref<128x128xf32, #tpu.memory_space<hbm>>
      %dma_wait3A_280 = arith.constant 0 : i32
      %dma_wait3A_281 = tpu.memref_slice %arg6[%add3A_252, %dma_wait3A_280] : memref<20224x128xf32, #tpu.memory_space<hbm>> -> memref<128x128xf32, #tpu.memory_space<hbm>>
      %dma_wait3A_282 = arith.constant 0 : i32
      %dma_wait3A_283 = arith.constant 0 : i32
      %dma_wait3A_284 = tpu.memref_slice %arg9[%dma_wait3A_282, %dma_wait3A_283] : memref<128x128xf32, #tpu.memory_space<vmem>> -> memref<128x128xf32, #tpu.memory_space<vmem>>
      tpu.wait_dma2 semaphore(%run_scoped3A_266 : memref<!tpu.dma_semaphore, #tpu.memory_space<semaphore_mem>>) src(%dma_wait3A_284 : memref<128x128xf32, #tpu.memory_space<vmem>>) dst(%dma_wait3A_281 : memref<128x128xf32, #tpu.memory_space<hbm>>)
      tpu.yield
    }) : () -> ()
    %scan3A_253 = arith.constant 0 : i32
    %scan3A_254 = arith.constant 0 : i32
    %scan3A_255 = arith.constant 8 : i32
    %scan3A_256 = arith.addi %scan3A_254, %scan3A_255 : i32
    %scan3A_257 = arith.constant 1 : i32
    %scan3A_258 = scf.for %scan3A_266 = %scan3A_254 to %scan3A_256 step %scan3A_257 iter_args(%scan3A_267 = %scan3A_253) -> (i32)  : i32 {
      %add3A_268 = arith.constant 512 : i32
      %add3A_269 = arith.addi %mul3A_0, %add3A_268 : i32
      %mul3A_270 = arith.constant 16 : i32
      %mul3A_271 = arith.muli %scan3A_266, %mul3A_270 : i32
      %add3A_272 = arith.addi %add3A_269, %mul3A_271 : i32
      %iota3A = tpu.iota {dimensions = array<i32: 0>} : vector<16xi32>
      %add3A_273 = vector.broadcast %add3A_272 : i32 to vector<16xi32>
      %add3A_274 = arith.addi %add3A_273, %iota3A : vector<16xi32>
      %add3A_275 = arith.constant 632 : i32
      %add3A_276 = arith.addi %mul3A_0, %add3A_275 : i32
      %sub3A = arith.constant 1 : i32
      %sub3A_277 = arith.subi %add3A_276, %sub3A : i32
      %min3A = vector.broadcast %sub3A_277 : i32 to vector<16xi32>
      %min3A_278 = arith.minsi %add3A_274, %min3A : vector<16xi32>
      %mul3A_279 = arith.constant 16 : i32
      %mul3A_280 = arith.muli %scan3A_266, %mul3A_279 : i32
      %swap3A = arith.constant 0 : i32
      %swap3A_281 = arith.index_cast %swap3A : i32 to index
      %swap3A_282 = arith.index_cast %mul3A_280 : i32 to index
      %swap3A_283 = tpu.vector_load %arg10[%swap3A_281, %swap3A_282] {strides = array<i32>} : memref<1x128xi32, #tpu.memory_space<vmem>>, vector<1x16xi32>,
      %swap3A_284 = vector.shape_cast %swap3A_283 : vector<1x16xi32> to vector<16xi32>
      %swap3A_285 = vector.shape_cast %min3A_278 : vector<16xi32> to vector<1x16xi32>
      tpu.vector_store %arg10[%swap3A_281, %swap3A_282], %swap3A_285 {strides = array<i32>} : memref<1x128xi32, #tpu.memory_space<vmem>>, vector<1x16xi32>,
      %scan3A_286 = arith.constant 0 : i32
      scf.yield %scan3A_286 : i32
    }
    %scan3A_259 = arith.constant 8 : i32
    %run_scoped3A_260 = arith.constant 0 : i32
    "tpu.region"() ({
      %run_scoped3A_266 = tpu.sem_alloc : memref<!tpu.dma_semaphore, #tpu.memory_space<semaphore_mem>>
      %dma_start3A = arith.constant 0 : i32
      %dma_start3A_267 = tpu.memref_slice %arg10[%run_scoped3A_260, %dma_start3A] : memref<1x128xi32, #tpu.memory_space<vmem>> -> memref<1x128xi32, #tpu.memory_space<vmem>>
      %dma_start3A_268 = tpu.memref_squeeze %dma_start3A_267 : memref<1x128xi32, #tpu.memory_space<vmem>> -> memref<128xi32, #tpu.memory_space<vmem>>
      %dma_start3A_269 = arith.constant 0 : i32
      %dma_start3A_270 = arith.constant 0 : i32
      %dma_start3A_271 = tpu.memref_slice %arg11[%dma_start3A_269, %dma_start3A_270] : memref<10112x128xf32, #tpu.memory_space<vmem_shared>> -> memref<10112x128xf32, #tpu.memory_space<vmem_shared>>
      tpu.enqueue_indirect_dma source(%dma_start3A_271 : memref<10112x128xf32, #tpu.memory_space<vmem_shared>>) target(%arg9 : memref<128x128xf32, #tpu.memory_space<vmem>>) offsets(%dma_start3A_268 : memref<128xi32, #tpu.memory_space<vmem>>) semaphore(%run_scoped3A_266 : memref<!tpu.dma_semaphore, #tpu.memory_space<semaphore_mem>>)
      %dma_wait3A = arith.constant 0 : i32
      %dma_wait3A_272 = tpu.memref_slice %arg10[%run_scoped3A_260, %dma_wait3A] : memref<1x128xi32, #tpu.memory_space<vmem>> -> memref<1x128xi32, #tpu.memory_space<vmem>>
      %dma_wait3A_273 = tpu.memref_squeeze %dma_wait3A_272 : memref<1x128xi32, #tpu.memory_space<vmem>> -> memref<128xi32, #tpu.memory_space<vmem>>
      %dma_wait3A_274 = arith.constant 0 : i32
      %dma_wait3A_275 = arith.constant 0 : i32
      %dma_wait3A_276 = tpu.memref_slice %arg11[%dma_wait3A_274, %dma_wait3A_275] : memref<10112x128xf32, #tpu.memory_space<vmem_shared>> -> memref<10112x128xf32, #tpu.memory_space<vmem_shared>>
      tpu.wait_indirect_dma semaphore(%run_scoped3A_266 : memref<!tpu.dma_semaphore, #tpu.memory_space<semaphore_mem>>) src(%dma_wait3A_276 : memref<10112x128xf32, #tpu.memory_space<vmem_shared>>) dst(%arg9 : memref<128x128xf32, #tpu.memory_space<vmem>>)
      tpu.yield
    }) : () -> ()
    %mul3A_261 = arith.constant 10112 : i32
    %mul3A_262 = arith.muli %arg0, %mul3A_261 : i32
    %add3A_263 = arith.addi %mul3A_262, %mul3A_0 : i32
    %add3A_264 = arith.constant 512 : i32
    %add3A_265 = arith.addi %add3A_263, %add3A_264 : i32
    "tpu.region"() ({
      %run_scoped3A_266 = tpu.sem_alloc : memref<!tpu.dma_semaphore, #tpu.memory_space<semaphore_mem>>
      %dma_start3A = arith.constant 0 : i32
      %dma_start3A_267 = arith.constant 0 : i32
      %dma_start3A_268 = tpu.memref_slice %arg9[%dma_start3A, %dma_start3A_267] : memref<128x128xf32, #tpu.memory_space<vmem>> -> memref<120x128xf32, #tpu.memory_space<vmem>>
      %dma_start3A_269 = arith.constant 0 : i32
      %dma_start3A_270 = tpu.memref_slice %arg6[%add3A_265, %dma_start3A_269] : memref<20224x128xf32, #tpu.memory_space<hbm>> -> memref<120x128xf32, #tpu.memory_space<hbm>>
      %dma_start3A_271 = arith.constant 0 : i32
      %dma_start3A_272 = tpu.memref_slice %arg6[%add3A_265, %dma_start3A_271] : memref<20224x128xf32, #tpu.memory_space<hbm>> -> memref<120x128xf32, #tpu.memory_space<hbm>>
      %dma_start3A_273 = arith.constant 0 : i32
      %dma_start3A_274 = arith.constant 0 : i32
      %dma_start3A_275 = tpu.memref_slice %arg9[%dma_start3A_273, %dma_start3A_274] : memref<128x128xf32, #tpu.memory_space<vmem>> -> memref<120x128xf32, #tpu.memory_space<vmem>>
      tpu.enqueue_dma source(%dma_start3A_275 : memref<120x128xf32, #tpu.memory_space<vmem>>) target(%dma_start3A_272 : memref<120x128xf32, #tpu.memory_space<hbm>>) target_semaphore(%run_scoped3A_266 : memref<!tpu.dma_semaphore, #tpu.memory_space<semaphore_mem>>)
      %dma_wait3A = arith.constant 0 : i32
      %dma_wait3A_276 = arith.constant 0 : i32
      %dma_wait3A_277 = tpu.memref_slice %arg9[%dma_wait3A, %dma_wait3A_276] : memref<128x128xf32, #tpu.memory_space<vmem>> -> memref<120x128xf32, #tpu.memory_space<vmem>>
      %dma_wait3A_278 = arith.constant 0 : i32
      %dma_wait3A_279 = tpu.memref_slice %arg6[%add3A_265, %dma_wait3A_278] : memref<20224x128xf32, #tpu.memory_space<hbm>> -> memref<120x128xf32, #tpu.memory_space<hbm>>
      %dma_wait3A_280 = arith.constant 0 : i32
      %dma_wait3A_281 = tpu.memref_slice %arg6[%add3A_265, %dma_wait3A_280] : memref<20224x128xf32, #tpu.memory_space<hbm>> -> memref<120x128xf32, #tpu.memory_space<hbm>>
      %dma_wait3A_282 = arith.constant 0 : i32
      %dma_wait3A_283 = arith.constant 0 : i32
      %dma_wait3A_284 = tpu.memref_slice %arg9[%dma_wait3A_282, %dma_wait3A_283] : memref<128x128xf32, #tpu.memory_space<vmem>> -> memref<120x128xf32, #tpu.memory_space<vmem>>
      tpu.wait_dma2 semaphore(%run_scoped3A_266 : memref<!tpu.dma_semaphore, #tpu.memory_space<semaphore_mem>>) src(%dma_wait3A_284 : memref<120x128xf32, #tpu.memory_space<vmem>>) dst(%dma_wait3A_281 : memref<120x128xf32, #tpu.memory_space<hbm>>)
      tpu.yield
    }) : () -> ()
    return
  }
}

module attributes {stable_mosaic.version = 14 : i64} {
  func.func @_h1_body(%arg0: i32, %arg1: memref<1000x128xf32, #tpu.memory_space<vmem>>, %arg2: memref<128x128xf32, #tpu.memory_space<vmem>>, %arg3: memref<1x128xf32, #tpu.memory_space<vmem>>, %arg4: memref<1000x128xf32, #tpu.memory_space<vmem>>) attributes {dimension_semantics = [#tpu.dimension_semantics<arbitrary>], iteration_bounds = array<i64: 10>, scalar_prefetch = 0 : i64, scratch_operands = 0 : i64, tpu.core_type = #tpu.core_type<tc>, window_params = [{transform_indices = @transform_0, window_bounds = array<i64: 1000, 128>}, {pipeline_mode = #tpu.pipeline_mode<synchronous>, transform_indices = @transform_1, window_bounds = array<i64: 128, 128>}, {pipeline_mode = #tpu.pipeline_mode<synchronous>, transform_indices = @transform_2, window_bounds = array<i64: 1, 128>}, {transform_indices = @transform_3, window_bounds = array<i64: 1000, 128>}]} {
    %get3A = arith.constant 0 : index
    %get3A_0 = arith.constant 0 : index
    %get3A_1 = vector.load %arg1[%get3A, %get3A_0] : memref<1000x128xf32, #tpu.memory_space<vmem>>, vector<1000x128xf32>
    %get3A_2 = arith.constant 0 : index
    %get3A_3 = arith.constant 0 : index
    %get3A_4 = vector.load %arg2[%get3A_2, %get3A_3] : memref<128x128xf32, #tpu.memory_space<vmem>>, vector<128x128xf32>
    %dot_general3A = arith.constant dense<0.000000e+00> : vector<1000x128xf32>
    %dot_general3A_5 = tpu.matmul %get3A_1, %get3A_4, %dot_general3A {dimension_numbers = #tpu.dot_dimension_numbers<[1], [1], [0], [0], [0, 0, 1, 0], [], []>, transpose_lhs_hint = false} : vector<1000x128xf32>, vector<128x128xf32>, vector<1000x128xf32> -> vector<1000x128xf32>
    %get3A_6 = arith.constant 0 : index
    %get3A_7 = arith.constant 0 : index
    %get3A_8 = vector.load %arg3[%get3A_6, %get3A_7] : memref<1x128xf32, #tpu.memory_space<vmem>>, vector<1x128xf32>
    %add3A = vector.broadcast %get3A_8 : vector<1x128xf32> to vector<1000x128xf32>
    %add3A_9 = arith.addf %dot_general3A_5, %add3A : vector<1000x128xf32>
    %max3A = arith.constant 0.000000e+00 : f32
    %max3A_10 = vector.broadcast %max3A : f32 to vector<1000x128xf32>
    %max3A_11 = arith.maximumf %add3A_9, %max3A_10 : vector<1000x128xf32>
    %swap3A = arith.constant 0 : index
    %swap3A_12 = arith.constant 0 : index
    %swap3A_13 = vector.load %arg4[%swap3A, %swap3A_12] : memref<1000x128xf32, #tpu.memory_space<vmem>>, vector<1000x128xf32>
    tpu.vector_store %arg4[%swap3A, %swap3A_12], %max3A_11 {strides = array<i32>} : memref<1000x128xf32, #tpu.memory_space<vmem>>, vector<1000x128xf32>,
    return
  }
  func.func @transform_0(%arg0: i32) -> (i32, i32) {
    %c0_i32 = arith.constant 0 : i32
    %c0_i32_0 = arith.constant 0 : i32
    return %arg0, %c0_i32 : i32, i32
  }
  func.func @transform_1(%arg0: i32) -> (i32, i32) {
    %c0_i32 = arith.constant 0 : i32
    %c0_i32_0 = arith.constant 0 : i32
    %c0_i32_1 = arith.constant 0 : i32
    return %c0_i32, %c0_i32_0 : i32, i32
  }
  func.func @transform_2(%arg0: i32) -> (i32, i32) {
    %c0_i32 = arith.constant 0 : i32
    %c0_i32_0 = arith.constant 0 : i32
    %c0_i32_1 = arith.constant 0 : i32
    return %c0_i32, %c0_i32_0 : i32, i32
  }
  func.func @transform_3(%arg0: i32) -> (i32, i32) {
    %c0_i32 = arith.constant 0 : i32
    %c0_i32_0 = arith.constant 0 : i32
    return %arg0, %c0_i32 : i32, i32
  }
}

module attributes {stable_mosaic.version = 14 : i64} {
  func.func @_fin_body(%arg0: i32, %arg1: memref<1x1000x128xf32, #tpu.memory_space<vmem>>, %arg2: memref<1x1000x128xf32, #tpu.memory_space<vmem>>, %arg3: memref<1x1000x128xf32, #tpu.memory_space<vmem>>, %arg4: memref<1x1000x128xf32, #tpu.memory_space<vmem>>, %arg5: memref<1000x128xf32, #tpu.memory_space<vmem>>, %arg6: memref<1000x128xf32, #tpu.memory_space<vmem>>) attributes {dimension_semantics = [#tpu.dimension_semantics<arbitrary>], iteration_bounds = array<i64: 10>, scalar_prefetch = 0 : i64, scratch_operands = 0 : i64, tpu.core_type = #tpu.core_type<tc>, window_params = [{transform_indices = @transform_0, window_bounds = array<i64: 1, 1000, 128>}, {transform_indices = @transform_1, window_bounds = array<i64: 1, 1000, 128>}, {transform_indices = @transform_2, window_bounds = array<i64: 1, 1000, 128>}, {transform_indices = @transform_3, window_bounds = array<i64: 1, 1000, 128>}, {transform_indices = @transform_4, window_bounds = array<i64: 1000, 128>}, {transform_indices = @transform_5, window_bounds = array<i64: 1000, 128>}]} {
    %get3A = arith.constant 0 : index
    %get3A_0 = arith.constant 0 : index
    %get3A_1 = arith.constant 0 : index
    %get3A_2 = vector.load %arg1[%get3A, %get3A_0, %get3A_1] : memref<1x1000x128xf32, #tpu.memory_space<vmem>>, vector<1x1000x128xf32>
    %get3A_3 = vector.shape_cast %get3A_2 : vector<1x1000x128xf32> to vector<1000x128xf32>
    %get3A_4 = arith.constant 0 : index
    %get3A_5 = arith.constant 0 : index
    %get3A_6 = arith.constant 0 : index
    %get3A_7 = vector.load %arg2[%get3A_4, %get3A_5, %get3A_6] : memref<1x1000x128xf32, #tpu.memory_space<vmem>>, vector<1x1000x128xf32>
    %get3A_8 = vector.shape_cast %get3A_7 : vector<1x1000x128xf32> to vector<1000x128xf32>
    %add3A = arith.addf %get3A_3, %get3A_8 : vector<1000x128xf32>
    %get3A_9 = arith.constant 0 : index
    %get3A_10 = arith.constant 0 : index
    %get3A_11 = arith.constant 0 : index
    %get3A_12 = vector.load %arg3[%get3A_9, %get3A_10, %get3A_11] : memref<1x1000x128xf32, #tpu.memory_space<vmem>>, vector<1x1000x128xf32>
    %get3A_13 = vector.shape_cast %get3A_12 : vector<1x1000x128xf32> to vector<1000x128xf32>
    %slice3A = vector.extract_strided_slice %get3A_13 {offsets = [0, 0], sizes = [1000, 1], strides = [1, 1]} : vector<1000x128xf32> to vector<1000x1xf32>
    %get3A_14 = arith.constant 0 : index
    %get3A_15 = arith.constant 0 : index
    %get3A_16 = arith.constant 0 : index
    %get3A_17 = vector.load %arg4[%get3A_14, %get3A_15, %get3A_16] : memref<1x1000x128xf32, #tpu.memory_space<vmem>>, vector<1x1000x128xf32>
    %get3A_18 = vector.shape_cast %get3A_17 : vector<1x1000x128xf32> to vector<1000x128xf32>
    %slice3A_19 = vector.extract_strided_slice %get3A_18 {offsets = [0, 0], sizes = [1000, 1], strides = [1, 1]} : vector<1000x128xf32> to vector<1000x1xf32>
    %add3A_20 = arith.addf %slice3A, %slice3A_19 : vector<1000x1xf32>
    %max3A = arith.constant 1.000000e+00 : f32
    %max3A_21 = vector.broadcast %max3A : f32 to vector<1000x1xf32>
    %max3A_22 = arith.maximumf %add3A_20, %max3A_21 : vector<1000x1xf32>
    %div3A = vector.broadcast %max3A_22 : vector<1000x1xf32> to vector<1000x128xf32>
    %div3A_23 = arith.divf %add3A, %div3A : vector<1000x128xf32>
    %gt3A = arith.constant 0.000000e+00 : f32
    %gt3A_24 = vector.broadcast %gt3A : f32 to vector<1000x1xf32>
    %gt3A_25 = arith.cmpf ogt, %add3A_20, %gt3A_24 : vector<1000x1xf32>
    %get3A_26 = arith.constant 0 : index
    %get3A_27 = arith.constant 0 : index
    %get3A_28 = vector.load %arg5[%get3A_26, %get3A_27] : memref<1000x128xf32, #tpu.memory_space<vmem>>, vector<1000x128xf32>
    %broadcast_in_dim3A = vector.shape_cast %gt3A_25 : vector<1000x1xi1> to vector<1000x1xi1>
    %broadcast_in_dim3A_29 = vector.broadcast %broadcast_in_dim3A : vector<1000x1xi1> to vector<1000x128xi1>
    %select_n3A = arith.select %broadcast_in_dim3A_29, %div3A_23, %get3A_28 : vector<1000x128xi1>, vector<1000x128xf32>
    %swap3A = arith.constant 0 : index
    %swap3A_30 = arith.constant 0 : index
    %swap3A_31 = vector.load %arg6[%swap3A, %swap3A_30] : memref<1000x128xf32, #tpu.memory_space<vmem>>, vector<1000x128xf32>
    tpu.vector_store %arg6[%swap3A, %swap3A_30], %select_n3A {strides = array<i32>} : memref<1000x128xf32, #tpu.memory_space<vmem>>, vector<1000x128xf32>,
    return
  }
  func.func @transform_0(%arg0: i32) -> (i32, i32, i32) {
    %c0_i32 = arith.constant 0 : i32
    %c0_i32_0 = arith.constant 0 : i32
    %c0_i32_1 = arith.constant 0 : i32
    return %c0_i32, %arg0, %c0_i32_0 : i32, i32, i32
  }
  func.func @transform_1(%arg0: i32) -> (i32, i32, i32) {
    %c1_i32 = arith.constant 1 : i32
    %c0_i32 = arith.constant 0 : i32
    %c0_i32_0 = arith.constant 0 : i32
    return %c1_i32, %arg0, %c0_i32 : i32, i32, i32
  }
  func.func @transform_2(%arg0: i32) -> (i32, i32, i32) {
    %c0_i32 = arith.constant 0 : i32
    %c0_i32_0 = arith.constant 0 : i32
    %c0_i32_1 = arith.constant 0 : i32
    return %c0_i32, %arg0, %c0_i32_0 : i32, i32, i32
  }
  func.func @transform_3(%arg0: i32) -> (i32, i32, i32) {
    %c1_i32 = arith.constant 1 : i32
    %c0_i32 = arith.constant 0 : i32
    %c0_i32_0 = arith.constant 0 : i32
    return %c1_i32, %arg0, %c0_i32 : i32, i32, i32
  }
  func.func @transform_4(%arg0: i32) -> (i32, i32) {
    %c0_i32 = arith.constant 0 : i32
    %c0_i32_0 = arith.constant 0 : i32
    return %arg0, %c0_i32 : i32, i32
  }
  func.func @transform_5(%arg0: i32) -> (i32, i32) {
    %c0_i32 = arith.constant 0 : i32
    %c0_i32_0 = arith.constant 0 : i32
    return %arg0, %c0_i32 : i32, i32
  }
}

</mosaic_0001>

<sc_bundles>
// kernel: kernel.5.cloned.1.call-start
scs
__scs_entry_jumppad:
0x0: {  	(pc) =	sbr.rel $0x88, $3  }
0x1: {  	(tag) =	ssettag $0x0;
	lr =	simm.s32 $0x1  }
0x2: {  	[smem:$0x3F9D] =	sst lr;
	_ =	strace $0xD0000000  }
0x3: {  	_ = 	snop  }
0x4: {  	_ = 	snop  }
0x5: {  	_ = 	snop  }
0x6: {  	_ = 	snop  }
0x7: {  	_ = 	snop  }
__scs_overlays_trampoline_lowered:
0x8: {  	[smem:$0x3FAC] =	sst s0  }
0x9: {  	[smem:$0x3FAD] =	sst s1  }
0xa: {  	[smem:$0x3FAE] =	sst s2  }
0xb: {  	[smem:$0x3FAF] =	sst s3  }
0xc: {  	[smem:$0x3FB0] =	sst s4  }
0xd: {  	[smem:$0x3FB1] =	sst s5  }
0xe: {  	[smem:$0x3FB2] =	sst s6  }
0xf: {  	[smem:$0x3FB3] =	sst s7  }
0x10: {  	[smem:$0x3FB4] =	sst s8  }
0x11: {  	[smem:$0x3FB5] =	sst s9;
	s0 =	simm.s32 @!p0 $0x0  }
0x12: {  	s1 =	sld [smem:$0x3F9B];
	s0 =	simm.s32 @p0 $0x1  }
0x13: {  	[smem:$0x3FB6] =	sst s0;
	s0 =	simm.s32 @!p1 $0x0  }
0x14: {  	s2 =	sld [smem:$0x3F9A];
	s0 =	simm.s32 @p1 $0x1  }
0x15: {  	[smem:$0x3FB7] =	sst s0;
	s0 =	simm.s32 @!p2 $0x0  }
0x16: {  	s3 =	sld [smem:$0x3FDB];
	s0 =	simm.s32 @p2 $0x1  }
0x17: {  	s4 =	simm.s32 $0x1BF5;
	[smem:$0x3FB9] =	sst s0  }
0x18: {  	s0 =	sld [smem:$0x3F9C];
	_ =	swait.ge [sflag:s4], $0x0  }
0x19: {  	s7 =	sld [smem:$0x3F9D]  }
0x1a: {  	s8 =	sadd.s32 $0xFFFFE003, lr  }
0x1b: {  	s9 =	sadd.s32 $0xFFFFFEF7, lr;
	s5 =	simm.s32 $0xFFFFFFFF;
	p2 =	slt.u32 s8, $0xFFFFF086  }
0x1c: {  	p1 =	slt.u32 s9, $0xF7A;
	s5 =	simm.s32 @!p2 $0x0  }
0x1d: {  	s5 =	simm.s32 @p1 $0x1;
	p0 =	seq.s32 s7, s2  }
0x1e: {  	s7 =	smul.u32 @!p0 $0xF7A, s2;
	p2 =	seq.s32 @!p0 s5, $0x0  }
0x1f: {  	s9 =	smul.u32 $0xF7A, s1;
	s8 =	simm.s32 @!p0 $0x1BF5;
	p2 =	por !p2, p0  }
0x20: {  	[sflag:s8] =	ssyncset.s32 @!p0 $0xFFFFF086;
	s6 =	sadd.s32 @!p0 s3, s7;
	s7 =	simm.s32 @!p0 $0x108  }
0x21: {  	s3 =	sadd.s32 s3, s9;
	s6 =	sadd.s32 @!p0 $0x88, s6;
	s7 =	simm.s32 @p2 $0x1082  }
0x22: {  	[simem:s7], [sflag:s8] =	dma.local @!p0 [hbm:s6], $0xF7A  }
0x23: {  	s9 =	sor.u32 $0xD0000000, s2;
	s6 =	simm.s32 $0x108;
	_ =	swait.ge @!p0 [sflag:s8], $0x0  }
0x24: {  	s3 =	sadd.s32 $0x88, s3;
	s6 =	simm.s32 @!p1 $0x1082;
	[sflag:s4] =	ssyncset.s32 $0xFFFFF086  }
0x25: {  	[simem:s6], [sflag:s4] =	dma.local [hbm:s3], $0xF7A  }
0x26: {  	[smem:$0x3F9D] =	sst s1;
	(tag) =	ssettag s2;
	_ =	strace s9  }
0x27: {  	s1 =	sld [smem:$0x3FAD]  }
0x28: {  	s2 =	sld [smem:$0x3FAE]  }
0x29: {  	s4 =	sld [smem:$0x3FB0]  }
0x2a: {  	p0 =	seq.s32 s5, $0x0;
	s5 =	sld [smem:$0x3FB1]  }
0x2b: {  	s6 =	sld [smem:$0x3FB2]  }
0x2c: {  	s7 =	sld [smem:$0x3FB3]  }
0x2d: {  	s3 =	simm.s32 $0x108;
	s8 =	sld [smem:$0x3FB4]  }
0x2e: {  	s3 =	simm.s32 @!p0 $0x1082;
	s9 =	sld [smem:$0x3FB5]  }
0x2f: {  	lr =	sadd.s32 s0, s3;
	s0 =	sld [smem:$0x3FAC]  }
0x30: {  	s3 =	sld [smem:$0x3FAF]  }
0x31: {  	[smem:$0x3FB8] =	sst s10  }
0x32: {  	s10 =	sld [smem:$0x3FB6];
	_ =	sdelay $0x3  }
0x33: {  	p0 =	seq.s32 s10, $0x1;
	s10 =	sld [smem:$0x3FB8];
	_ =	sdelay $0x3  }
0x34: {  	[smem:$0x3FB8] =	sst s10  }
0x35: {  	s10 =	sld [smem:$0x3FB7];
	_ =	sdelay $0x3  }
0x36: {  	p1 =	seq.s32 s10, $0x1;
	s10 =	sld [smem:$0x3FB8];
	_ =	sdelay $0x3  }
0x37: {  	[smem:$0x3FB8] =	sst s10  }
0x38: {  	s10 =	sld [smem:$0x3FB9]  }
0x39: {  	_ = 	snop;
	(pc) =	sbr.ind lr, $3  }
0x3a: {  	_ = 	snop  }
0x3b: {  	_ = 	snop  }
0x3c: {  	p2 =	seq.s32 s10, $0x1;
	s10 =	sld [smem:$0x3FB8]  }
0x3d: {  	_ =	shalt  }
0x3e: {  	_ =	shalt  }
0x3f: {  	_ =	shalt  }
0x40: {  	_ =	shalt  }
0x41: {  	_ =	shalt  }
0x42: {  	_ =	shalt  }
0x43: {  	_ =	shalt  }
0x44: {  	_ =	shalt  }
0x45: {  	_ =	shalt  }
0x46: {  	_ =	shalt  }
0x47: {  	_ =	shalt  }
0x48: {  	_ =	shalt  }
0x49: {  	_ =	shalt  }
0x4a: {  	_ =	shalt  }
0x4b: {  	_ =	shalt  }
0x4c: {  	_ =	shalt  }
0x4d: {  	_ =	shalt  }
0x4e: {  	_ =	shalt  }
0x4f: {  	_ =	shalt  }
0x50: {  	_ =	shalt  }
0x51: {  	_ =	shalt  }
0x52: {  	_ =	shalt  }
0x53: {  	_ =	shalt  }
0x54: {  	_ =	shalt  }
0x55: {  	_ =	shalt  }
0x56: {  	_ =	shalt  }
0x57: {  	_ =	shalt  }
0x58: {  	_ =	shalt  }
0x59: {  	_ =	shalt  }
0x5a: {  	_ =	shalt  }
0x5b: {  	_ =	shalt  }
0x5c: {  	_ =	shalt  }
0x5d: {  	_ =	shalt  }
0x5e: {  	_ =	shalt  }
0x5f: {  	_ =	shalt  }
0x60: {  	_ =	shalt  }
0x61: {  	_ =	shalt  }
0x62: {  	_ =	shalt  }
0x63: {  	_ =	shalt  }
0x64: {  	_ =	shalt  }
0x65: {  	_ =	shalt  }
0x66: {  	_ =	shalt  }
0x67: {  	_ =	shalt  }
0x68: {  	_ =	shalt  }
0x69: {  	_ =	shalt  }
0x6a: {  	_ =	shalt  }
0x6b: {  	_ =	shalt  }
0x6c: {  	_ =	shalt  }
0x6d: {  	_ =	shalt  }
0x6e: {  	_ =	shalt  }
0x6f: {  	_ =	shalt  }
0x70: {  	_ =	shalt  }
0x71: {  	_ =	shalt  }
0x72: {  	_ =	shalt  }
0x73: {  	_ =	shalt  }
0x74: {  	_ =	shalt  }
0x75: {  	_ =	shalt  }
0x76: {  	_ =	shalt  }
0x77: {  	_ =	shalt  }
0x78: {  	_ =	shalt  }
0x79: {  	_ =	shalt  }
0x7a: {  	_ =	shalt  }
0x7b: {  	_ =	shalt  }
0x7c: {  	_ =	shalt  }
0x7d: {  	_ =	shalt  }
0x7e: {  	_ =	shalt  }
0x7f: {  	_ =	shalt  }
0x80: {  	_ =	shalt  }
0x81: {  	_ =	shalt  }
0x82: {  	_ =	shalt  }
0x83: {  	_ =	shalt  }
0x84: {  	_ =	shalt  }
0x85: {  	_ =	shalt  }
0x86: {  	_ =	shalt  }
0x87: {  	_ =	shalt  }
.Lfunc_end0:
.L_simem_size_0:
called_computation_lowered:
.L_overlay_start_0:
0x88: {  	s2 =	sld [smem:$0x3FD9]  }
0x89: {  	s3 =	sld [smem:$0x3FFE];
	_ =	sdelay $0x1  }
0x8a: {  	s1 =	srdreg.scid  }
0x8b: {  	s0 =	sand.u32 $0x1, s1  }
0x8c: {  	s17 =	sshll.u32 s0, $0xA;
	s2 =	sadd.s32 s3, s2  }
0x8d: {  	s2 =	sadd.s32 s2, s17  }
0x8e: {  	[smem:$0x3FC4] =	sst s2  }
0x8f: {  	_ = 	snop  }
0x90: {  	s2 =	sld [smem:$0x3FD0];
	(tm) =	ssettm $0x1  }
0x91: {  	s18 =	sld [smem:$0x3FFB];
	_ =	sdelay $0x3  }
0x92: {  	_ =	strace s18  }
0x93: {  	s3 =	sld [smem:$0x3FFC];
	_ =	sdelay $0x3  }
0x94: {  	_ =	strace s3  }
0x95: {  	s3 =	sld [smem:$0x3FFD];
	_ =	sdelay $0x3  }
0x96: {  	_ =	strace s3  }
0x97: {  	_ =	strace $0x8FFFFFFF  }
0x98: {  	s19 =	sld [smem:$0x3FDB];
	_ =	sdelay $0x1  }
0x99: {  	s4 =	simm.s32 $_scs_section_size  }
0x9a: {  	s5 =	simm.s32 $_size__tile_overlayer_lowered;
	s6 =	simm.s32 $_tile_overlayer_lowered  }
0x9b: {  	s22 =	simm.s32 $0x1BFF;
	s21 =	sshll.u32 s6, $0x1;
	s3 =	sadd.s32 s4, s19  }
0x9c: {  	s7 =	simm.s32 $0x0;
	s20 =	sshll.u32 s5, $0x1;
	s5 =	sadd.s32 s21, s3  }
0x9d: {  	[timem:s7], [sflag:s22] =	dma.local [hbm:s5], s20  }
0x9e: {  	_ =	swait.ge [sflag:s22], s20  }
0x9f: {  	s4 =	ssub.s32 $0x0, s20;
	[sflag:s22] =	ssyncset.done $0x0  }
0xa0: {  	[sflag:s22] =	ssyncadd.s32 s4;
	_ =	sdelay $0x1  }
0xa1: {  	s23 =	simm.s32 $0x1B8B  }
0xa2: {  	_ =	swait.ge [sflag:s23], $0x1  }
0xa3: {  	[sflag:s23] =	ssyncset.done $0x0  }
0xa4: {  	s25 =	simm.s32 $0x1B8E;
	s24 =	sld [smem:$0x3FFE];
	[sflag:s23] =	ssyncadd.s32 $0xFFFFFFFF  }
0xa5: {  	s26 =	simm.s32 $execute0_lowered;
	[smem:$0x3FD2] =	sst s25  }
0xa6: {  	s5 =	sshll.u32 s26, $0x1;
	_ =	strace $0x80000046;
	[dreg:$0x1] =	wrdreg $0xFFFFFFFF  }
0xa7: {  	s28 =	simm.s32 $_size_execute0_lowered;
	s3 =	sadd.s32 s3, s5;
	[dreg:$0x0] =	wrdreg $0x0  }
0xa8: {  	s5 =	sshll.u32 s28, $0x1;
	[dreg:$0x2] =	wrdreg s3  }
0xa9: {  	[dreg:$0x3] =	wrdreg s5  }
0xaa: {  	[dreg:$0x4] =	wrdreg $0xC0  }
0xab: {  	_ =	task [dreg:s7], $0x5FFFF  }
0xac: {  	[dreg:$0x1] =	wrdreg $0xFFFFFFFF  }
0xad: {  	[dreg:$0x0] =	wrdreg $0x60  }
0xae: {  	[dreg:$0x2] =	wrdreg s2  }
0xaf: {  	[dreg:$0x3] =	wrdreg s24  }
0xb0: {  	[dreg:$0x4] =	wrdreg $0x41800  }
0xb1: {  	[dreg:$0x5] =	wrdreg $0x9  }
0xb2: {  	_ =	task.clear_ibuf [dreg:s7], $0x6FFFF;
	_ =	strace $0x90000046  }
0xb3: {  	s29 =	simm.s32 $0x9;
	_ =	strace $0x80000048  }
0xb4: {  	_ =	swait.ge [sflag:s29], $0x1  }
0xb5: {  	[sflag:s29] =	ssyncadd.s32 $0xFFFFFFFF  }
0xb6: {  	_ =	strace $0x90000048  }
0xb7: {  	_ =	sfence  }
0xb8: {  	s30 =	sld [smem:$0x0];
	_ =	sdelay $0x2  }
0xb9: {  	s31 =	sshll.u32 s1, $0xD;
	s1 =	sshrl.u32 s1, $0x2  }
0xba: {  	s3 =	sand.u32 $0x4000, s31;
	s1 =	sadd.s32 s1, s30  }
0xbb: {  	s0 =	sor.u32 s3, s0;
	s1 =	sshll.u32 s1, $0x11  }
0xbc: {  	s0 =	sor.u32 s1, s0  }
0xbd: {  	s0 =	sadd.s32 $0x8F2B, s0  }
0xbe: {  	[sflag:s0] =	ssyncadd.remote.s32 $0x1  }
0xbf: {  	_ =	sfence.sel $0xFFFF  }
0xc0: {  	[dreg:$0x0] =	wrdreg $0xFFFFFFFF;
	(pc) =	sbr.abs _section_cstart, $3  }
0xc1: {  	[dreg:$0x1] =	wrdreg $0xFFFFFFFF  }
0xc2: {  	_ =	task.clear_ibuf [dreg:s7], $0x2FFFF;
	_ =	strace $0x9FFFFFFF  }
0xc3: {  	(tm) =	ssettm $0x7FFFFFFF  }
tec
execute0_lowered:
.L_overlay_start_1:
0x0: {  	(tag) =	ssettag $0x1  }
0x1: {  	s1 =	rddreg [dreg:$0x0]  }
0x2: {  	s0 =	rddreg [dreg:$0x1];
	s7 =	stileid.u32  }
0x3: {  	s2 =	srdreg.scid;
	s3 =	rddreg [dreg:$0x2]  }
0x4: {  	s24 =	simm.s32 $0x80;
	s25 =	simm.s32 $0x4100;
	s26 =	simm.s32 $0x100  }
0x5: {  	s28 =	simm.s32 $0x2;
	s29 =	simm.s32 $0x1;
	s4 =	smul.u32 $0x3F, s7  }
0x6: {  	s30 =	simm.s32 $0x0;
	s2 =	sand.u32 $0x1, s2;
	s5 =	smul.u32 $0x5F, s7  }
0x7: {  	s11 =	sadd.s32 $0x14E00, s0;
	p0 =	seq.s32 s2, $0x0;
	s31 =	smul.u32 $0x2780, s2  }
0x8: {  	s2 =	ssub.s32 $0x2, s2;
	s6 =	sadd.s32 $0x5F0, s4;
	s4 =	simm.s32 $0x0  }
0x9: {  	s8 =	sshrl.u32 s2, $0x1;
	s6 =	smov.u32 @p0 s5;
	s5 =	smul.u32 $0x278, s7  }
0xa: {  	[smem:$0x7FF] =	sst s4;
	s2 =	ssub.s32 s2, s8;
	s6 =	sshll.u32 s6, $0x4  }
0xb: {  	_ =	strace $0x80000047;
	s17 =	smax.u32 s2, $0x1;
	s22 =	sadd.s32 s6, s0  }
0xc: {  	s0 =	sadd.s32 $0x63E00, s0;
	s7 =	sadd.s32 s5, s31;
	s6 =	simm.s32 $0x5F  }
0xd: {  	s23 =	sadd.s32 $0x277, s5;
	s18 =	sadd.s32 $0x80, s5;
	s19 =	sadd.s32 $0x100, s5  }
0xe: {  	s20 =	sadd.s32 $0x180, s5;
	s21 =	sadd.s32 $0x200, s5;
	s12 =	sshll.u32 s7, $0x4  }
0xf: {  	s6 =	simm.s32 @!p0 $0x3F;
	s2 =	sadd.s32 $0x1200, s22;
	s13 =	sadd.s32 $0x800, s12  }
0x10: {  	s7 =	sadd.s32 s11, s12;
	s14 =	sadd.s32 $0x1000, s12;
	s15 =	sadd.s32 $0x1800, s12  }
0x11: {  	s16 =	sadd.s32 $0x2000, s12;
	s12 =	sadd.s32 s0, s12;
	[dreg:$0x4] =	wrdreg s7  }
0x12: {  	s8 =	sadd.s32 s11, s13;
	s9 =	sadd.s32 s11, s14;
	s10 =	sadd.s32 s11, s15  }
0x13: {  	v1 =	vimm.f32 $0.0e+00;
	s11 =	sadd.s32 s11, s16;
	s13 =	sadd.s32 s0, s13;
	s14 =	sadd.s32 s0, s14  }
0x14: {  	v2 =	vlaneseq.u32;
	v3 =	vimm.f32 $1.000000000e+00;
	v0 =	vmov s23;
	s15 =	sadd.s32 s0, s15;
	s16 =	sadd.s32 s0, s16;
	s0 =	sadd.s32 $0xB000, s22  }
.LBB2_1:
0x15: {  	s22 =	simm.s32 $0x0;
	s23 =	simm.s32 $0x0  }
.LBB2_2:
0x16: {  	p0 =	sne.s32 s23, $0xFFC0  }
.Ltmp0:
0x17: {  	_ = 	snop;
	(pc) =	sbr.rel @p0 .LBB2_2-.Ltmp0, $4  }
0x18: {  	s31 =	sand.u32 $0xFE00, s23  }
0x19: {  	s7 =	sand.u32 $0x70, s22;
	s31 =	sshrl.u32 s31, $0x2  }
0x1a: {  	s7 =	sor.u32 s7, s31  }
0x1b: {  	s22 =	sadd.s32 $0x10, s22;
	s23 =	sadd.s32 $0x40, s23;
	[tilespmem:s7+$0x100] =	vst v1  }
0x1c: {  	v8 =	vadd.s32 s5, v2  }
0x1d: {  	vm4 =	vlt.s32 v8, v0  }
0x1e: {  	s22 =	simm.s32 $0x40;
	s31 =	simm.s32 $0x0;
	s23 =	smov.u32 s5;
	v4 =	vsel vm4, v8, v0  }
.LBB2_4:
0x1f: {  	p0 =	sne.s32 s22, $0x1C0  }
0x20: {  	[tilespmem:s31+$0x4100] =	vst v4;
	s23 =	sadd.s32 $0x10, s23;
	s7 =	smov.u32 s22;
	s22 =	sadd.s32 $0x40, s22  }
.Ltmp1:
0x21: {  	(pc) =	sbr.rel @p0 .LBB2_4-.Ltmp1, $4  }
0x22: {  	_ = 	snop  }
0x23: {  	v4 =	vadd.s32 s23, v2  }
0x24: {  	vm0 =	vlt.s32 v4, v0  }
0x25: {  	s31 =	sshra.s32 s7, $0x2;
	v4 =	vsel vm0, v4, v0  }
0x26: {  	[tilespmem:s31+$0x4100] =	vst v4  }
0x27: {  	[spmem:s3] =	stream.indirect.scatter [tilespmem:s26], [sflag:$0x2], $0x80, s25, s24, $0xb8;
	[tilespmem:$0x17D80] =	vst v63  }
0x28: {  	v7 =	vadd.s32 s18, v2;
	_ =	swait.ge [sflag:s28], $0x4000  }
0x29: {  	s22 =	simm.s32 $0x40;
	vm3 =	vlt.s32 v7, v0;
	[sflag:s28] =	ssyncset.done $0x0  }
0x2a: {  	s31 =	simm.s32 $0x0;
	s23 =	smov.u32 s18;
	v4 =	vsel vm3, v7, v0;
	[sflag:s28] =	ssyncadd.s32 $0xFFFFC000  }
.LBB2_6:
0x2b: {  	p0 =	sne.s32 s22, $0x1C0  }
0x2c: {  	[tilespmem:s31+$0x4100] =	vst v4;
	s23 =	sadd.s32 $0x10, s23;
	s7 =	smov.u32 s22;
	s22 =	sadd.s32 $0x40, s22  }
.Ltmp2:
0x2d: {  	(pc) =	sbr.rel @p0 .LBB2_6-.Ltmp2, $4  }
0x2e: {  	_ = 	snop  }
0x2f: {  	v4 =	vadd.s32 s23, v2  }
0x30: {  	vm0 =	vlt.s32 v4, v0  }
0x31: {  	s31 =	sshra.s32 s7, $0x2;
	v4 =	vsel vm0, v4, v0  }
0x32: {  	[tilespmem:s31+$0x4100] =	vst v4  }
0x33: {  	[spmem:s3] =	stream.indirect.scatter [tilespmem:s26], [sflag:$0x2], $0x80, s25, s24, $0xb8;
	[tilespmem:$0x17D80] =	vst v63  }
0x34: {  	v6 =	vadd.s32 s19, v2;
	_ =	swait.ge [sflag:s28], $0x4000  }
0x35: {  	s22 =	simm.s32 $0x40;
	vm2 =	vlt.s32 v6, v0;
	[sflag:s28] =	ssyncset.done $0x0  }
0x36: {  	s31 =	simm.s32 $0x0;
	s23 =	smov.u32 s19;
	v4 =	vsel vm2, v6, v0;
	[sflag:s28] =	ssyncadd.s32 $0xFFFFC000  }
.LBB2_8:
0x37: {  	p0 =	sne.s32 s22, $0x1C0  }
0x38: {  	[tilespmem:s31+$0x4100] =	vst v4;
	s23 =	sadd.s32 $0x10, s23;
	s7 =	smov.u32 s22;
	s22 =	sadd.s32 $0x40, s22  }
.Ltmp3:
0x39: {  	(pc) =	sbr.rel @p0 .LBB2_8-.Ltmp3, $4  }
0x3a: {  	_ = 	snop  }
0x3b: {  	v4 =	vadd.s32 s23, v2  }
0x3c: {  	vm0 =	vlt.s32 v4, v0  }
0x3d: {  	s31 =	sshra.s32 s7, $0x2;
	v4 =	vsel vm0, v4, v0  }
0x3e: {  	[tilespmem:s31+$0x4100] =	vst v4  }
0x3f: {  	[spmem:s3] =	stream.indirect.scatter [tilespmem:s26], [sflag:$0x2], $0x80, s25, s24, $0xb8;
	[tilespmem:$0x17D80] =	vst v63  }
0x40: {  	v5 =	vadd.s32 s20, v2;
	_ =	swait.ge [sflag:s28], $0x4000  }
0x41: {  	s22 =	simm.s32 $0x40;
	vm1 =	vlt.s32 v5, v0;
	[sflag:s28] =	ssyncset.done $0x0  }
0x42: {  	s31 =	simm.s32 $0x0;
	s23 =	smov.u32 s20;
	v4 =	vsel vm1, v5, v0;
	[sflag:s28] =	ssyncadd.s32 $0xFFFFC000  }
.LBB2_10:
0x43: {  	p0 =	sne.s32 s22, $0x1C0  }
0x44: {  	[tilespmem:s31+$0x4100] =	vst v4;
	s23 =	sadd.s32 $0x10, s23;
	s7 =	smov.u32 s22;
	s22 =	sadd.s32 $0x40, s22  }
.Ltmp4:
0x45: {  	(pc) =	sbr.rel @p0 .LBB2_10-.Ltmp4, $4  }
0x46: {  	_ = 	snop  }
0x47: {  	v4 =	vadd.s32 s23, v2  }
0x48: {  	vm0 =	vlt.s32 v4, v0  }
0x49: {  	s31 =	sshra.s32 s7, $0x2;
	v4 =	vsel vm0, v4, v0  }
0x4a: {  	[tilespmem:s31+$0x4100] =	vst v4  }
0x4b: {  	[spmem:s3] =	stream.indirect.scatter [tilespmem:s26], [sflag:$0x2], $0x80, s25, s24, $0xb8;
	[tilespmem:$0x17D80] =	vst v63  }
0x4c: {  	v4 =	vadd.s32 s21, v2;
	_ =	swait.ge [sflag:s28], $0x4000  }
0x4d: {  	s22 =	simm.s32 $0x40;
	vm0 =	vlt.s32 v4, v0;
	[sflag:s28] =	ssyncset.done $0x0  }
0x4e: {  	s31 =	simm.s32 $0x0;
	s23 =	smov.u32 s21;
	v9 =	vsel vm0, v4, v0;
	[sflag:s28] =	ssyncadd.s32 $0xFFFFC000  }
.LBB2_12:
0x4f: {  	p0 =	sne.s32 s22, $0x1C0  }
0x50: {  	[tilespmem:s31+$0x4100] =	vst v9;
	s23 =	sadd.s32 $0x10, s23;
	s7 =	smov.u32 s22;
	s22 =	sadd.s32 $0x40, s22  }
.Ltmp5:
0x51: {  	(pc) =	sbr.rel @p0 .LBB2_12-.Ltmp5, $4  }
0x52: {  	_ = 	snop  }
0x53: {  	v9 =	vadd.s32 s23, v2  }
0x54: {  	vm5 =	vlt.s32 v9, v0  }
0x55: {  	s31 =	sshra.s32 s7, $0x2;
	v9 =	vsel vm5, v9, v0  }
0x56: {  	[tilespmem:s31+$0x4100] =	vst v9  }
0x57: {  	[spmem:s3] =	stream.indirect.scatter [tilespmem:s26], [sflag:$0x2], $0x80, s25, s24, $0xb8;
	[tilespmem:$0x17D80] =	vst v63  }
0x58: {  	_ =	swait.ge [sflag:s28], $0x4000  }
0x59: {  	[sflag:s28] =	ssyncset.done $0x0  }
0x5a: {  	[sflag:s28] =	ssyncadd.s32 $0xFFFFC000  }
0x5b: {  	[bflag:$0x0] =	sbarrier.arrive $0xFFFF  }
0x5c: {  	[tilespmem:s4], [sflag:$0x2] =	stream.linear.gather [hbm4b:s0+s4], $0x80, $0x38;
	[tilespmem:$0x17D80] =	vst v63  }
0x5d: {  	_ =	swait.ge [sflag:s28], $0x80  }
0x5e: {  	[sflag:s28] =	ssyncset.done $0x0  }
0x5f: {  	[sflag:s28] =	ssyncadd.s32 $0xFFFFFF80  }
0x60: {  	[tilespmem:s24], [sflag:$0x2] =	stream.linear.gather [hbm4b:s2+s4], $0x80, $0x38;
	[tilespmem:$0x17D80] =	vst v63  }
0x61: {  	_ =	swait.ge [sflag:s28], $0x80  }
0x62: {  	[sflag:s28] =	ssyncset.done $0x0  }
0x63: {  	[sflag:s28] =	ssyncadd.s32 $0xFFFFFF80  }
0x64: {  	[tilespmem:s26], [sflag:$0x1] =	stream.indirect.gather [hbm4b:s1+s24], $0x80, s4, s24, $0xb8;
	[tilespmem:$0x17D80] =	vst v63  }
0x65: {  	p0 =	sne.s32 s6, $0x1;
	_ =	swait.ge [sflag:s29], $0x4000  }
.Ltmp6:
0x66: {  	[sflag:s29] =	ssyncset.done $0x0;
	(pc) =	sbr.rel @!p0 .LBB2_15-.Ltmp6, $4  }
0x67: {  	[sflag:s29] =	ssyncadd.s32 $0xFFFFC000  }
0x68: {  	[spmem:s3] =	stream.indirect.scatter.add.f32 [tilespmem:s26], [sflag:$0x2], $0x80, s24, s24, $0xb8;
	[tilespmem:$0x17D80] =	vst v63  }
0x69: {  	s31 =	sadd.s32 $0xFFFFFFFF, s6;
	_ =	swait.ge [sflag:s28], $0x4000  }
0x6a: {  	s22 =	smov.u32 s2;
	s23 =	smov.u32 s0;
	[sflag:s28] =	ssyncset.done $0x0  }
.LBB2_14:
0x6b: {  	[sflag:s28] =	ssyncadd.s32 $0xFFFFC000;
	s22 =	sadd.s32 $0x10, s22;
	s23 =	sadd.s32 $0x10, s23  }
0x6c: {  	[tilespmem:s4], [sflag:$0x2] =	stream.linear.gather [hbm4b:s23+s4], $0x80, $0x38;
	[tilespmem:$0x17D80] =	vst v63  }
0x6d: {  	p1 =	sne.s32 s31, $0x1;
	s31 =	sadd.s32 $0xFFFFFFFF, s31;
	_ =	swait.ge [sflag:s28], $0x80  }
0x6e: {  	[sflag:s28] =	ssyncset.done $0x0  }
0x6f: {  	[sflag:s28] =	ssyncadd.s32 $0xFFFFFF80  }
0x70: {  	[tilespmem:s24], [sflag:$0x2] =	stream.linear.gather [hbm4b:s22+s4], $0x80, $0x38;
	[tilespmem:$0x17D80] =	vst v63  }
0x71: {  	_ =	swait.ge [sflag:s28], $0x80  }
0x72: {  	[sflag:s28] =	ssyncset.done $0x0  }
0x73: {  	[sflag:s28] =	ssyncadd.s32 $0xFFFFFF80  }
0x74: {  	[tilespmem:s26], [sflag:$0x1] =	stream.indirect.gather [hbm4b:s1+s24], $0x80, s4, s24, $0xb8;
	[tilespmem:$0x17D80] =	vst v63  }
0x75: {  	_ =	swait.ge [sflag:s29], $0x4000  }
.Ltmp7:
0x76: {  	[sflag:s29] =	ssyncset.done $0x0;
	(pc) =	sbr.rel @p1 .LBB2_14-.Ltmp7, $4  }
0x77: {  	[sflag:s29] =	ssyncadd.s32 $0xFFFFC000  }
0x78: {  	[spmem:s3] =	stream.indirect.scatter.add.f32 [tilespmem:s26], [sflag:$0x2], $0x80, s24, s24, $0xb8;
	[tilespmem:$0x17D80] =	vst v63  }
0x79: {  	_ =	swait.ge [sflag:s28], $0x4000  }
0x7a: {  	[sflag:s28] =	ssyncset.done $0x0  }
.LBB2_15:
0x7b: {  	[sflag:s28] =	ssyncadd.s32 $0xFFFFC000;
	s22 =	simm.s32 $0x40  }
0x7c: {  	v9 =	vsel vm4, v8, v0;
	s31 =	simm.s32 $0x0;
	s23 =	smov.u32 s5;
	[bflag:$0x0] =	sbarrier.arrive $0xFFFF  }
.LBB2_16:
0x7d: {  	p1 =	sne.s32 s22, $0x1C0  }
0x7e: {  	[tilespmem:s31+$0x4100] =	vst v9;
	s23 =	sadd.s32 $0x10, s23;
	s7 =	smov.u32 s22;
	s22 =	sadd.s32 $0x40, s22  }
.Ltmp8:
0x7f: {  	(pc) =	sbr.rel @p1 .LBB2_16-.Ltmp8, $4  }
0x80: {  	_ = 	snop  }
0x81: {  	v9 =	vadd.s32 s23, v2  }
0x82: {  	vm5 =	vlt.s32 v9, v0  }
0x83: {  	s31 =	sshra.s32 s7, $0x2;
	v9 =	vsel vm5, v9, v0  }
0x84: {  	[tilespmem:s31+$0x4100] =	vst v9  }
0x85: {  	[tilespmem:s26], [sflag:$0x2] =	stream.indirect.gather [spmem:s3], $0x80, s25, s24, $0xb8;
	[tilespmem:$0x17D80] =	vst v63  }
0x86: {  	_ =	swait.ge [sflag:s28], $0x4000  }
0x87: {  	[sflag:s28] =	ssyncset.done $0x0  }
0x88: {  	s7 =	simm.s32 $0x0;
	s22 =	rddreg [dreg:$0x4];
	[sflag:s28] =	ssyncadd.s32 $0xFFFFC000  }
0x89: {  	[hbm4b:s22+s7] =	stream.linear.scatter [tilespmem:s26], [sflag:$0x2], $0x4000, $0x38;
	[tilespmem:$0x17D80] =	vst v63  }
0x8a: {  	_ =	swait.ge [sflag:s28], $0x4000  }
0x8b: {  	s31 =	simm.s32 $0x0;
	[sflag:s28] =	ssyncset.done $0x0  }
0x8c: {  	v9 =	vsel vm3, v7, v0;
	s23 =	smov.u32 s18;
	s22 =	simm.s32 $0x40;
	[sflag:s28] =	ssyncadd.s32 $0xFFFFC000  }
.LBB2_18:
0x8d: {  	p1 =	sne.s32 s22, $0x1C0  }
0x8e: {  	[tilespmem:s31+$0x4100] =	vst v9;
	s23 =	sadd.s32 $0x10, s23;
	s7 =	smov.u32 s22;
	s22 =	sadd.s32 $0x40, s22  }
.Ltmp9:
0x8f: {  	(pc) =	sbr.rel @p1 .LBB2_18-.Ltmp9, $4  }
0x90: {  	_ = 	snop  }
0x91: {  	v9 =	vadd.s32 s23, v2  }
0x92: {  	vm5 =	vlt.s32 v9, v0  }
0x93: {  	s31 =	sshra.s32 s7, $0x2;
	v9 =	vsel vm5, v9, v0  }
0x94: {  	[tilespmem:s31+$0x4100] =	vst v9  }
0x95: {  	[tilespmem:s26], [sflag:$0x2] =	stream.indirect.gather [spmem:s3], $0x80, s25, s24, $0xb8;
	[tilespmem:$0x17D80] =	vst v63  }
0x96: {  	_ =	swait.ge [sflag:s28], $0x4000  }
0x97: {  	[sflag:s28] =	ssyncset.done $0x0  }
0x98: {  	s7 =	simm.s32 $0x0;
	[sflag:s28] =	ssyncadd.s32 $0xFFFFC000  }
0x99: {  	[hbm4b:s8+s7] =	stream.linear.scatter [tilespmem:s26], [sflag:$0x2], $0x4000, $0x38;
	[tilespmem:$0x17D80] =	vst v63  }
0x9a: {  	_ =	swait.ge [sflag:s28], $0x4000  }
0x9b: {  	s22 =	simm.s32 $0x40;
	[sflag:s28] =	ssyncset.done $0x0  }
0x9c: {  	v9 =	vsel vm2, v6, v0;
	s31 =	simm.s32 $0x0;
	s23 =	smov.u32 s19;
	[sflag:s28] =	ssyncadd.s32 $0xFFFFC000  }
.LBB2_20:
0x9d: {  	p1 =	sne.s32 s22, $0x1C0  }
0x9e: {  	[tilespmem:s31+$0x4100] =	vst v9;
	s23 =	sadd.s32 $0x10, s23;
	s7 =	smov.u32 s22;
	s22 =	sadd.s32 $0x40, s22  }
.Ltmp10:
0x9f: {  	(pc) =	sbr.rel @p1 .LBB2_20-.Ltmp10, $4  }
0xa0: {  	_ = 	snop  }
0xa1: {  	v9 =	vadd.s32 s23, v2  }
0xa2: {  	vm5 =	vlt.s32 v9, v0  }
0xa3: {  	s31 =	sshra.s32 s7, $0x2;
	v9 =	vsel vm5, v9, v0  }
0xa4: {  	[tilespmem:s31+$0x4100] =	vst v9  }
0xa5: {  	[tilespmem:s26], [sflag:$0x2] =	stream.indirect.gather [spmem:s3], $0x80, s25, s24, $0xb8;
	[tilespmem:$0x17D80] =	vst v63  }
0xa6: {  	_ =	swait.ge [sflag:s28], $0x4000  }
0xa7: {  	[sflag:s28] =	ssyncset.done $0x0  }
0xa8: {  	s7 =	simm.s32 $0x0;
	[sflag:s28] =	ssyncadd.s32 $0xFFFFC000  }
0xa9: {  	[hbm4b:s9+s7] =	stream.linear.scatter [tilespmem:s26], [sflag:$0x2], $0x4000, $0x38;
	[tilespmem:$0x17D80] =	vst v63  }
0xaa: {  	_ =	swait.ge [sflag:s28], $0x4000  }
0xab: {  	s22 =	simm.s32 $0x40;
	[sflag:s28] =	ssyncset.done $0x0  }
0xac: {  	v9 =	vsel vm1, v5, v0;
	s31 =	simm.s32 $0x0;
	s23 =	smov.u32 s20;
	[sflag:s28] =	ssyncadd.s32 $0xFFFFC000  }
.LBB2_22:
0xad: {  	p1 =	sne.s32 s22, $0x1C0  }
0xae: {  	[tilespmem:s31+$0x4100] =	vst v9;
	s23 =	sadd.s32 $0x10, s23;
	s7 =	smov.u32 s22;
	s22 =	sadd.s32 $0x40, s22  }
.Ltmp11:
0xaf: {  	(pc) =	sbr.rel @p1 .LBB2_22-.Ltmp11, $4  }
0xb0: {  	_ = 	snop  }
0xb1: {  	v9 =	vadd.s32 s23, v2  }
0xb2: {  	vm5 =	vlt.s32 v9, v0  }
0xb3: {  	s31 =	sshra.s32 s7, $0x2;
	v9 =	vsel vm5, v9, v0  }
0xb4: {  	[tilespmem:s31+$0x4100] =	vst v9  }
0xb5: {  	[tilespmem:s26], [sflag:$0x2] =	stream.indirect.gather [spmem:s3], $0x80, s25, s24, $0xb8;
	[tilespmem:$0x17D80] =	vst v63  }
0xb6: {  	_ =	swait.ge [sflag:s28], $0x4000  }
0xb7: {  	[sflag:s28] =	ssyncset.done $0x0  }
0xb8: {  	s7 =	simm.s32 $0x0;
	[sflag:s28] =	ssyncadd.s32 $0xFFFFC000  }
0xb9: {  	[hbm4b:s10+s7] =	stream.linear.scatter [tilespmem:s26], [sflag:$0x2], $0x4000, $0x38;
	[tilespmem:$0x17D80] =	vst v63  }
0xba: {  	_ =	swait.ge [sflag:s28], $0x4000  }
0xbb: {  	s22 =	simm.s32 $0x40;
	[sflag:s28] =	ssyncset.done $0x0  }
0xbc: {  	v9 =	vsel vm0, v4, v0;
	s31 =	simm.s32 $0x0;
	s23 =	smov.u32 s21;
	[sflag:s28] =	ssyncadd.s32 $0xFFFFC000  }
.LBB2_24:
0xbd: {  	p1 =	sne.s32 s22, $0x1C0  }
0xbe: {  	[tilespmem:s31+$0x4100] =	vst v9;
	s23 =	sadd.s32 $0x10, s23;
	s7 =	smov.u32 s22;
	s22 =	sadd.s32 $0x40, s22  }
.Ltmp12:
0xbf: {  	(pc) =	sbr.rel @p1 .LBB2_24-.Ltmp12, $4  }
0xc0: {  	_ = 	snop  }
0xc1: {  	v9 =	vadd.s32 s23, v2  }
0xc2: {  	vm5 =	vlt.s32 v9, v0  }
0xc3: {  	s31 =	sshra.s32 s7, $0x2;
	v9 =	vsel vm5, v9, v0  }
0xc4: {  	[tilespmem:s31+$0x4100] =	vst v9  }
0xc5: {  	[tilespmem:s26], [sflag:$0x2] =	stream.indirect.gather [spmem:s3], $0x80, s25, s24, $0xb8;
	[tilespmem:$0x17D80] =	vst v63  }
0xc6: {  	_ =	swait.ge [sflag:s28], $0x4000  }
0xc7: {  	[sflag:s28] =	ssyncset.done $0x0  }
0xc8: {  	s22 =	simm.s32 $0x0;
	[sflag:s28] =	ssyncadd.s32 $0xFFFFC000  }
0xc9: {  	[hbm4b:s11+s22] =	stream.linear.scatter [tilespmem:s26], [sflag:$0x2], $0x3C00, $0x38;
	[tilespmem:$0x17D80] =	vst v63  }
0xca: {  	s7 =	sand.u32 $0xFE00, s22;
	_ =	swait.ge [sflag:s28], $0x3C00  }
0xcb: {  	s31 =	sand.u32 $0x70, s22;
	s7 =	sshrl.u32 s7, $0x2;
	[sflag:s28] =	ssyncset.done $0x0  }
0xcc: {  	s23 =	simm.s32 $0x40;
	s31 =	sor.u32 s31, s7;
	[sflag:s28] =	ssyncadd.s32 $0xFFFFC400  }
.LBB2_26:
0xcd: {  	p1 =	sne.s32 s23, $0xFFC0  }
0xce: {  	[tilespmem:s31+$0x100] =	vst v1;
	s22 =	sadd.s32 $0x10, s22;
	s7 =	smov.u32 s23;
	s23 =	sadd.s32 $0x40, s23  }
.Ltmp13:
0xcf: {  	(pc) =	sbr.rel @p1 .LBB2_26-.Ltmp13, $4  }
0xd0: {  	_ = 	snop  }
0xd1: {  	s7 =	sand.u32 $0xFE00, s7  }
0xd2: {  	s31 =	sand.u32 $0x70, s22;
	s7 =	sshrl.u32 s7, $0x2  }
0xd3: {  	s31 =	sor.u32 s31, s7  }
0xd4: {  	[tilespmem:s31+$0x100] =	vst v1;
	s22 =	simm.s32 $0x40;
	v9 =	vsel vm4, v8, v0;
	s31 =	simm.s32 $0x0;
	s23 =	smov.u32 s5  }
.LBB2_28:
0xd5: {  	p1 =	sne.s32 s22, $0x1C0  }
0xd6: {  	[tilespmem:s31+$0x4100] =	vst v9;
	s23 =	sadd.s32 $0x10, s23;
	s7 =	smov.u32 s22;
	s22 =	sadd.s32 $0x40, s22  }
.Ltmp14:
0xd7: {  	(pc) =	sbr.rel @p1 .LBB2_28-.Ltmp14, $4  }
0xd8: {  	_ = 	snop  }
0xd9: {  	v9 =	vadd.s32 s23, v2  }
0xda: {  	vm5 =	vlt.s32 v9, v0  }
0xdb: {  	s31 =	sshra.s32 s7, $0x2;
	v9 =	vsel vm5, v9, v0  }
0xdc: {  	[tilespmem:s31+$0x4100] =	vst v9  }
0xdd: {  	[spmem:s3] =	stream.indirect.scatter [tilespmem:s26], [sflag:$0x2], $0x80, s25, s24, $0xb8;
	[tilespmem:$0x17D80] =	vst v63  }
0xde: {  	_ =	swait.ge [sflag:s28], $0x4000  }
0xdf: {  	s22 =	simm.s32 $0x40;
	[sflag:s28] =	ssyncset.done $0x0  }
0xe0: {  	v9 =	vsel vm3, v7, v0;
	s31 =	simm.s32 $0x0;
	s23 =	smov.u32 s18;
	[sflag:s28] =	ssyncadd.s32 $0xFFFFC000  }
.LBB2_30:
0xe1: {  	p1 =	sne.s32 s22, $0x1C0  }
0xe2: {  	[tilespmem:s31+$0x4100] =	vst v9;
	s23 =	sadd.s32 $0x10, s23;
	s7 =	smov.u32 s22;
	s22 =	sadd.s32 $0x40, s22  }
.Ltmp15:
0xe3: {  	(pc) =	sbr.rel @p1 .LBB2_30-.Ltmp15, $4  }
0xe4: {  	_ = 	snop  }
0xe5: {  	v9 =	vadd.s32 s23, v2  }
0xe6: {  	vm5 =	vlt.s32 v9, v0  }
0xe7: {  	s31 =	sshra.s32 s7, $0x2;
	v9 =	vsel vm5, v9, v0  }
0xe8: {  	[tilespmem:s31+$0x4100] =	vst v9  }
0xe9: {  	[spmem:s3] =	stream.indirect.scatter [tilespmem:s26], [sflag:$0x2], $0x80, s25, s24, $0xb8;
	[tilespmem:$0x17D80] =	vst v63  }
0xea: {  	_ =	swait.ge [sflag:s28], $0x4000  }
0xeb: {  	s22 =	simm.s32 $0x40;
	[sflag:s28] =	ssyncset.done $0x0  }
0xec: {  	v9 =	vsel vm2, v6, v0;
	s31 =	simm.s32 $0x0;
	s23 =	smov.u32 s19;
	[sflag:s28] =	ssyncadd.s32 $0xFFFFC000  }
.LBB2_32:
0xed: {  	p1 =	sne.s32 s22, $0x1C0  }
0xee: {  	[tilespmem:s31+$0x4100] =	vst v9;
	s23 =	sadd.s32 $0x10, s23;
	s7 =	smov.u32 s22;
	s22 =	sadd.s32 $0x40, s22  }
.Ltmp16:
0xef: {  	(pc) =	sbr.rel @p1 .LBB2_32-.Ltmp16, $4  }
0xf0: {  	_ = 	snop  }
0xf1: {  	v9 =	vadd.s32 s23, v2  }
0xf2: {  	vm5 =	vlt.s32 v9, v0  }
0xf3: {  	s31 =	sshra.s32 s7, $0x2;
	v9 =	vsel vm5, v9, v0  }
0xf4: {  	[tilespmem:s31+$0x4100] =	vst v9  }
0xf5: {  	[spmem:s3] =	stream.indirect.scatter [tilespmem:s26], [sflag:$0x2], $0x80, s25, s24, $0xb8;
	[tilespmem:$0x17D80] =	vst v63  }
0xf6: {  	_ =	swait.ge [sflag:s28], $0x4000  }
0xf7: {  	s22 =	simm.s32 $0x40;
	[sflag:s28] =	ssyncset.done $0x0  }
0xf8: {  	v9 =	vsel vm1, v5, v0;
	s31 =	simm.s32 $0x0;
	s23 =	smov.u32 s20;
	[sflag:s28] =	ssyncadd.s32 $0xFFFFC000  }
.LBB2_34:
0xf9: {  	p1 =	sne.s32 s22, $0x1C0  }
0xfa: {  	[tilespmem:s31+$0x4100] =	vst v9;
	s23 =	sadd.s32 $0x10, s23;
	s7 =	smov.u32 s22;
	s22 =	sadd.s32 $0x40, s22  }
.Ltmp17:
0xfb: {  	(pc) =	sbr.rel @p1 .LBB2_34-.Ltmp17, $4  }
0xfc: {  	_ = 	snop  }
0xfd: {  	v9 =	vadd.s32 s23, v2  }
0xfe: {  	vm5 =	vlt.s32 v9, v0  }
0xff: {  	s31 =	sshra.s32 s7, $0x2;
	v9 =	vsel vm5, v9, v0  }
0x100: {  	[tilespmem:s31+$0x4100] =	vst v9  }
0x101: {  	[spmem:s3] =	stream.indirect.scatter [tilespmem:s26], [sflag:$0x2], $0x80, s25, s24, $0xb8;
	[tilespmem:$0x17D80] =	vst v63  }
0x102: {  	_ =	swait.ge [sflag:s28], $0x4000  }
0x103: {  	s22 =	simm.s32 $0x40;
	[sflag:s28] =	ssyncset.done $0x0  }
0x104: {  	v9 =	vsel vm0, v4, v0;
	s31 =	simm.s32 $0x0;
	s23 =	smov.u32 s21;
	[sflag:s28] =	ssyncadd.s32 $0xFFFFC000  }
.LBB2_36:
0x105: {  	p1 =	sne.s32 s22, $0x1C0  }
0x106: {  	[tilespmem:s31+$0x4100] =	vst v9;
	s23 =	sadd.s32 $0x10, s23;
	s7 =	smov.u32 s22;
	s22 =	sadd.s32 $0x40, s22  }
.Ltmp18:
0x107: {  	(pc) =	sbr.rel @p1 .LBB2_36-.Ltmp18, $4  }
0x108: {  	_ = 	snop  }
0x109: {  	v9 =	vadd.s32 s23, v2  }
0x10a: {  	vm5 =	vlt.s32 v9, v0  }
0x10b: {  	s31 =	sshra.s32 s7, $0x2;
	v9 =	vsel vm5, v9, v0  }
0x10c: {  	[tilespmem:s31+$0x4100] =	vst v9  }
0x10d: {  	[spmem:s3] =	stream.indirect.scatter [tilespmem:s26], [sflag:$0x2], $0x80, s25, s24, $0xb8;
	[tilespmem:$0x17D80] =	vst v63  }
0x10e: {  	s22 =	simm.s32 $0x0;
	_ =	swait.ge [sflag:s28], $0x4000  }
0x10f: {  	s7 =	sand.u32 $0xFE00, s22;
	[sflag:s28] =	ssyncset.done $0x0  }
0x110: {  	s31 =	sand.u32 $0x70, s22;
	s7 =	sshrl.u32 s7, $0x2;
	[sflag:s28] =	ssyncadd.s32 $0xFFFFC000  }
0x111: {  	s23 =	simm.s32 $0x40;
	s31 =	sor.u32 s31, s7;
	[bflag:$0x0] =	sbarrier.arrive $0xFFFF  }
.LBB2_38:
0x112: {  	p1 =	sne.s32 s23, $0xFFC0  }
0x113: {  	[tilespmem:s31+$0x100] =	vst v3;
	s22 =	sadd.s32 $0x10, s22;
	s7 =	smov.u32 s23;
	s23 =	sadd.s32 $0x40, s23  }
.Ltmp19:
0x114: {  	(pc) =	sbr.rel @p1 .LBB2_38-.Ltmp19, $4  }
0x115: {  	_ = 	snop  }
0x116: {  	s7 =	sand.u32 $0xFE00, s7  }
0x117: {  	s31 =	sand.u32 $0x70, s22;
	s7 =	sshrl.u32 s7, $0x2  }
0x118: {  	s31 =	sor.u32 s31, s7  }
0x119: {  	[tilespmem:s31+$0x100] =	vst v3  }
0x11a: {  	[tilespmem:s24], [sflag:$0x2] =	stream.linear.gather [hbm4b:s2+s4], $0x80, $0x38;
	[tilespmem:$0x17D80] =	vst v63  }
0x11b: {  	_ =	swait.ge [sflag:s28], $0x80  }
.Ltmp20:
0x11c: {  	[sflag:s28] =	ssyncset.done $0x0;
	(pc) =	sbr.rel @!p0 .LBB2_41-.Ltmp20, $4  }
0x11d: {  	[sflag:s28] =	ssyncadd.s32 $0xFFFFFF80  }
0x11e: {  	[spmem:s3] =	stream.indirect.scatter.add.f32 [tilespmem:s26], [sflag:$0x2], $0x80, s24, s24, $0xb8;
	[tilespmem:$0x17D80] =	vst v63  }
0x11f: {  	_ =	swait.ge [sflag:s28], $0x4000  }
0x120: {  	s22 =	sadd.s32 $0xFFFFFFFF, s6;
	s23 =	smov.u32 s2;
	[sflag:s28] =	ssyncset.done $0x0  }
.LBB2_40:
0x121: {  	p0 =	sne.s32 s22, $0x1;
	[sflag:s28] =	ssyncadd.s32 $0xFFFFC000;
	s23 =	sadd.s32 $0x10, s23  }
0x122: {  	[tilespmem:s24], [sflag:$0x2] =	stream.linear.gather [hbm4b:s23+s4], $0x80, $0x38;
	[tilespmem:$0x17D80] =	vst v63  }
0x123: {  	s22 =	sadd.s32 $0xFFFFFFFF, s22;
	_ =	swait.ge [sflag:s28], $0x80  }
.Ltmp21:
0x124: {  	[sflag:s28] =	ssyncset.done $0x0;
	(pc) =	sbr.rel @p0 .LBB2_40-.Ltmp21, $4  }
0x125: {  	[sflag:s28] =	ssyncadd.s32 $0xFFFFFF80  }
0x126: {  	[spmem:s3] =	stream.indirect.scatter.add.f32 [tilespmem:s26], [sflag:$0x2], $0x80, s24, s24, $0xb8;
	[tilespmem:$0x17D80] =	vst v63  }
0x127: {  	_ =	swait.ge [sflag:s28], $0x4000  }
0x128: {  	[sflag:s28] =	ssyncset.done $0x0  }
.LBB2_41:
0x129: {  	[sflag:s28] =	ssyncadd.s32 $0xFFFFC000;
	s22 =	simm.s32 $0x40  }
0x12a: {  	v8 =	vsel vm4, v8, v0;
	s31 =	simm.s32 $0x0;
	s23 =	smov.u32 s5;
	[bflag:$0x0] =	sbarrier.arrive $0xFFFF  }
.LBB2_42:
0x12b: {  	p0 =	sne.s32 s22, $0x1C0  }
0x12c: {  	[tilespmem:s31+$0x4100] =	vst v8;
	s23 =	sadd.s32 $0x10, s23;
	s7 =	smov.u32 s22;
	s22 =	sadd.s32 $0x40, s22  }
.Ltmp22:
0x12d: {  	(pc) =	sbr.rel @p0 .LBB2_42-.Ltmp22, $4  }
0x12e: {  	_ = 	snop  }
0x12f: {  	v8 =	vadd.s32 s23, v2  }
0x130: {  	vm4 =	vlt.s32 v8, v0  }
0x131: {  	s31 =	sshra.s32 s7, $0x2;
	v8 =	vsel vm4, v8, v0  }
0x132: {  	[tilespmem:s31+$0x4100] =	vst v8  }
0x133: {  	[tilespmem:s26], [sflag:$0x2] =	stream.indirect.gather [spmem:s3], $0x80, s25, s24, $0xb8;
	[tilespmem:$0x17D80] =	vst v63  }
0x134: {  	_ =	swait.ge [sflag:s28], $0x4000  }
0x135: {  	[sflag:s28] =	ssyncset.done $0x0  }
0x136: {  	s7 =	simm.s32 $0x0;
	[sflag:s28] =	ssyncadd.s32 $0xFFFFC000  }
0x137: {  	[hbm4b:s12+s7] =	stream.linear.scatter [tilespmem:s26], [sflag:$0x2], $0x4000, $0x38;
	[tilespmem:$0x17D80] =	vst v63  }
0x138: {  	_ =	swait.ge [sflag:s28], $0x4000  }
0x139: {  	s22 =	simm.s32 $0x40;
	[sflag:s28] =	ssyncset.done $0x0  }
0x13a: {  	v7 =	vsel vm3, v7, v0;
	s31 =	simm.s32 $0x0;
	s23 =	smov.u32 s18;
	[sflag:s28] =	ssyncadd.s32 $0xFFFFC000  }
.LBB2_44:
0x13b: {  	p0 =	sne.s32 s22, $0x1C0  }
0x13c: {  	[tilespmem:s31+$0x4100] =	vst v7;
	s23 =	sadd.s32 $0x10, s23;
	s7 =	smov.u32 s22;
	s22 =	sadd.s32 $0x40, s22  }
.Ltmp23:
0x13d: {  	(pc) =	sbr.rel @p0 .LBB2_44-.Ltmp23, $4  }
0x13e: {  	_ = 	snop  }
0x13f: {  	v7 =	vadd.s32 s23, v2  }
0x140: {  	vm3 =	vlt.s32 v7, v0  }
0x141: {  	s31 =	sshra.s32 s7, $0x2;
	v7 =	vsel vm3, v7, v0  }
0x142: {  	[tilespmem:s31+$0x4100] =	vst v7  }
0x143: {  	[tilespmem:s26], [sflag:$0x2] =	stream.indirect.gather [spmem:s3], $0x80, s25, s24, $0xb8;
	[tilespmem:$0x17D80] =	vst v63  }
0x144: {  	_ =	swait.ge [sflag:s28], $0x4000  }
0x145: {  	[sflag:s28] =	ssyncset.done $0x0  }
0x146: {  	s7 =	simm.s32 $0x0;
	[sflag:s28] =	ssyncadd.s32 $0xFFFFC000  }
0x147: {  	[hbm4b:s13+s7] =	stream.linear.scatter [tilespmem:s26], [sflag:$0x2], $0x4000, $0x38;
	[tilespmem:$0x17D80] =	vst v63  }
0x148: {  	_ =	swait.ge [sflag:s28], $0x4000  }
0x149: {  	s22 =	simm.s32 $0x40;
	[sflag:s28] =	ssyncset.done $0x0  }
0x14a: {  	v6 =	vsel vm2, v6, v0;
	s31 =	simm.s32 $0x0;
	s23 =	smov.u32 s19;
	[sflag:s28] =	ssyncadd.s32 $0xFFFFC000  }
.LBB2_46:
0x14b: {  	p0 =	sne.s32 s22, $0x1C0  }
0x14c: {  	[tilespmem:s31+$0x4100] =	vst v6;
	s23 =	sadd.s32 $0x10, s23;
	s7 =	smov.u32 s22;
	s22 =	sadd.s32 $0x40, s22  }
.Ltmp24:
0x14d: {  	(pc) =	sbr.rel @p0 .LBB2_46-.Ltmp24, $4  }
0x14e: {  	_ = 	snop  }
0x14f: {  	v6 =	vadd.s32 s23, v2  }
0x150: {  	vm2 =	vlt.s32 v6, v0  }
0x151: {  	s31 =	sshra.s32 s7, $0x2;
	v6 =	vsel vm2, v6, v0  }
0x152: {  	[tilespmem:s31+$0x4100] =	vst v6  }
0x153: {  	[tilespmem:s26], [sflag:$0x2] =	stream.indirect.gather [spmem:s3], $0x80, s25, s24, $0xb8;
	[tilespmem:$0x17D80] =	vst v63  }
0x154: {  	_ =	swait.ge [sflag:s28], $0x4000  }
0x155: {  	[sflag:s28] =	ssyncset.done $0x0  }
0x156: {  	s7 =	simm.s32 $0x0;
	[sflag:s28] =	ssyncadd.s32 $0xFFFFC000  }
0x157: {  	[hbm4b:s14+s7] =	stream.linear.scatter [tilespmem:s26], [sflag:$0x2], $0x4000, $0x38;
	[tilespmem:$0x17D80] =	vst v63  }
0x158: {  	_ =	swait.ge [sflag:s28], $0x4000  }
0x159: {  	s22 =	simm.s32 $0x40;
	[sflag:s28] =	ssyncset.done $0x0  }
0x15a: {  	v5 =	vsel vm1, v5, v0;
	s31 =	simm.s32 $0x0;
	s23 =	smov.u32 s20;
	[sflag:s28] =	ssyncadd.s32 $0xFFFFC000  }
.LBB2_48:
0x15b: {  	p0 =	sne.s32 s22, $0x1C0  }
0x15c: {  	[tilespmem:s31+$0x4100] =	vst v5;
	s23 =	sadd.s32 $0x10, s23;
	s7 =	smov.u32 s22;
	s22 =	sadd.s32 $0x40, s22  }
.Ltmp25:
0x15d: {  	(pc) =	sbr.rel @p0 .LBB2_48-.Ltmp25, $4  }
0x15e: {  	_ = 	snop  }
0x15f: {  	v5 =	vadd.s32 s23, v2  }
0x160: {  	vm1 =	vlt.s32 v5, v0  }
0x161: {  	s31 =	sshra.s32 s7, $0x2;
	v5 =	vsel vm1, v5, v0  }
0x162: {  	[tilespmem:s31+$0x4100] =	vst v5  }
0x163: {  	[tilespmem:s26], [sflag:$0x2] =	stream.indirect.gather [spmem:s3], $0x80, s25, s24, $0xb8;
	[tilespmem:$0x17D80] =	vst v63  }
0x164: {  	_ =	swait.ge [sflag:s28], $0x4000  }
0x165: {  	[sflag:s28] =	ssyncset.done $0x0  }
0x166: {  	s7 =	simm.s32 $0x0;
	[sflag:s28] =	ssyncadd.s32 $0xFFFFC000  }
0x167: {  	[hbm4b:s15+s7] =	stream.linear.scatter [tilespmem:s26], [sflag:$0x2], $0x4000, $0x38;
	[tilespmem:$0x17D80] =	vst v63  }
0x168: {  	_ =	swait.ge [sflag:s28], $0x4000  }
0x169: {  	s22 =	simm.s32 $0x40;
	[sflag:s28] =	ssyncset.done $0x0  }
0x16a: {  	v4 =	vsel vm0, v4, v0;
	s31 =	simm.s32 $0x0;
	s23 =	smov.u32 s21;
	[sflag:s28] =	ssyncadd.s32 $0xFFFFC000  }
.LBB2_50:
0x16b: {  	p0 =	sne.s32 s22, $0x1C0  }
0x16c: {  	[tilespmem:s31+$0x4100] =	vst v4;
	s23 =	sadd.s32 $0x10, s23;
	s7 =	smov.u32 s22;
	s22 =	sadd.s32 $0x40, s22  }
.Ltmp26:
0x16d: {  	(pc) =	sbr.rel @p0 .LBB2_50-.Ltmp26, $4  }
0x16e: {  	_ = 	snop  }
0x16f: {  	v4 =	vadd.s32 s23, v2  }
0x170: {  	vm0 =	vlt.s32 v4, v0  }
0x171: {  	s31 =	sshra.s32 s7, $0x2;
	v4 =	vsel vm0, v4, v0  }
0x172: {  	[tilespmem:s31+$0x4100] =	vst v4  }
0x173: {  	[tilespmem:s26], [sflag:$0x2] =	stream.indirect.gather [spmem:s3], $0x80, s25, s24, $0xb8;
	[tilespmem:$0x17D80] =	vst v63  }
0x174: {  	s30 =	sadd.s32 $0x1, s30;
	_ =	swait.ge [sflag:s28], $0x4000  }
0x175: {  	p0 =	sne.s32 s30, s17;
	[sflag:s28] =	ssyncset.done $0x0  }
.Ltmp27:
0x176: {  	[sflag:s28] =	ssyncadd.s32 $0xFFFFC000;
	(pc) =	sbr.rel @p0 .LBB2_1-.Ltmp27, $4  }
0x177: {  	[hbm4b:s16+s4] =	stream.linear.scatter [tilespmem:s26], [sflag:$0x2], $0x3C00, $0x38;
	[tilespmem:$0x17D80] =	vst v63  }
0x178: {  	_ =	swait.ge [sflag:s28], $0x3C00  }
0x179: {  	[sflag:s28] =	ssyncset.done $0x0  }
0x17a: {  	[sflag:s28] =	ssyncadd.s32 $0xFFFFC400  }
0x17b: {  	_ =	sfence.sel $0x180000  }
0x17c: {  	[bflag:$0x0] =	sbarrier.arrive $0xFFFF  }
0x17d: {  	_ =	strace $0x90000047  }
0x17e: {  	s0 =	stileid.u32;
	[bflag:$0x2] =	sbarrier.arrive $0xFFFF  }
0x17f: {  	p0 =	sne.s32 s0, $0x0;
	s0 =	rddreg [dreg:$0x3]  }
0x180: {  	s0 =	sadd.s32 @!p0 $0x100000, s0  }
0x181: {  	[sflag:s0] =	ssyncadd.tile.s32 @!p0 $0x1;
	_ =	shalt  }
.Lfunc_end2:
_tile_overlayer_lowered:
.L_overlay_start_2:
0x182: {  	(tag) =	ssettag $0x2  }
0x183: {  	s0 =	rddreg [dreg:$0x0];
	s2 =	stileid.u32  }
0x184: {  	s1 =	rddreg [dreg:$0x1];
	p0 =	sne.s32 s2, $0x0  }
0x185: {  	s3 =	rddreg [dreg:$0x2];
	[bflag:$0x3] =	sbarrier.arrive $0xFFFF;
	s2 =	simm.s32 @!p0 $0x1C02  }
0x186: {  	[timem:s3], [sflag:s2] =	dma.local @!p0 [hbm:s0], s1  }
0x187: {  	s0 =	simm.s32 @!p0 $0x2  }
0x188: {  	_ =	swait.ge @!p0 [sflag:s0], s1  }
0x189: {  	s1 =	ssub.s32 @!p0 $0x0, s1;
	[sflag:s0] =	ssyncset.done @!p0 $0x0  }
0x18a: {  	[sflag:s0] =	ssyncadd.s32 @!p0 s1  }
0x18b: {  	[bflag:$0x3] =	sbarrier.arrive $0xFFFF  }
0x18c: {  	_ =	shalt  }

</sc_bundles>
